<compile_context>
chip_gen: v7x
topology: tpu7x:2x2x1
jax: 0.10.2.dev20260603
libtpu: 0.0.44.dev20260713+nightly
codegen_flags: <defaults>
</compile_context>

<pallas_src>
import jax
import jax.numpy as jnp
import numpy as np
from jax import lax
from jax.experimental import pallas as pl
from jax.experimental.pallas import tpu as pltpu
from jax.experimental.pallas import tpu_sc as plsc

_B = 128
_COLS = 100000
_NUM = 38
_NW = 32
_R = 200
_BLK = _R * _B
_NT = (_B * _COLS) // _BLK
_TPW = 16
_NPAIR = _TPW // 2
_NSL = 3

_R_STATIC = np.asarray([
    53, 33, 93, 32, 28, 102, 38, 94, 65, 35, 96, 98, 48, 45, 76, 124, 120,
    41, 107, 4, 74, 32, 82, 107, 76, 21, 119, 50, 127, 90, 55, 21, 97, 108,
    17, 24, 42, 114, 40, 120, 5, 109, 84, 15, 2, 22, 60, 28, 77, 124, 105,
    83, 43, 94, 21, 36, 71, 124, 0, 2, 108, 11, 44, 119, 81, 31, 71, 110,
    119, 6, 58, 102, 12, 54, 5, 67, 68, 14, 97, 109, 113, 39, 97, 100, 109,
    28, 126, 13, 53, 41, 120, 14, 33, 49, 100, 70, 30, 27, 17, 13, 46, 78,
    40, 120, 63, 76, 116, 7, 53, 33, 55, 60, 42, 57, 86, 51, 108, 4, 111,
    107, 34, 10, 110, 124, 97, 51, 25, 122,
], dtype=np.int32)
_S_STATIC = np.arange(_B, dtype=np.int32)
_S_STATIC[1:_NUM] = _R_STATIC[1:_NUM]


def _body(x1, stab, out, sv, f0, f1, f2, f3,
          sl0, sl1, sl2, sl3, ss0, ss1, ss2, ss3):
    cid = lax.axis_index("c")
    sid = lax.axis_index("s")
    w = sid * 2 + cid

    pltpu.sync_copy(stab, sv)

    fs = (f0, f1, f2, f3)
    sls = (sl0, sl1, sl2, sl3)
    sss = (ss0, ss1, ss2, ss3)

    def teff(t):
        return jnp.where(t < _NT, t, w)

    def load(k, j):
        q0 = teff(w + k * _NW) * _BLK
        pltpu.make_async_copy(x1.at[pl.ds(q0, _BLK)], fs[j], sls[j]).start()

    def wait_load(j):
        pltpu.make_async_copy(x1.at[pl.ds(0, _BLK)], fs[j], sls[j]).wait()

    def compute(j):
        fv = fs[j]
        svs = [sv[k, :] for k in range(_NSL)]

        def row(rr, carry):
            base = rr * _B
            bs = [plsc.load_gather(fv, [svs[k] + base]) for k in range(_NSL)]
            for k in range(_NSL):
                off = base + 16 * k
                a = fv[pl.ds(off, 16)]
                fv[pl.ds(off, 16)] = a + (bs[k] - a) * 0.5
            return carry

        lax.fori_loop(0, _R, row, 0)

    def store(k, j):
        q0 = teff(w + k * _NW) * _BLK
        pltpu.make_async_copy(fs[j], out.at[pl.ds(q0, _BLK)], sss[j]).start()

    def wait_store(j):
        pltpu.make_async_copy(fs[j], out.at[pl.ds(0, _BLK)], sss[j]).wait()

    load(0, 0)
    load(1, 1)
    for k in range(_TPW):
        j = k % 4
        if k + 2 < _TPW:
            if k >= 2:
                wait_store((k + 2) % 4)
            load(k + 2, (k + 2) % 4)
        wait_load(j)
        compute(j)
        store(k, j)
    for j in range(4):
        wait_store(j)


_blend = pl.kernel(
    _body,
    out_type=jax.ShapeDtypeStruct((_B * _COLS,), jnp.float32),
    mesh=plsc.VectorSubcoreMesh(core_axis_name="c", subcore_axis_name="s"),
    scratch_types=[
        pltpu.VMEM((8, 16), jnp.int32),
        pltpu.VMEM((_BLK,), jnp.float32),
        pltpu.VMEM((_BLK,), jnp.float32),
        pltpu.VMEM((_BLK,), jnp.float32),
        pltpu.VMEM((_BLK,), jnp.float32),
        pltpu.SemaphoreType.DMA,
        pltpu.SemaphoreType.DMA,
        pltpu.SemaphoreType.DMA,
        pltpu.SemaphoreType.DMA,
        pltpu.SemaphoreType.DMA,
        pltpu.SemaphoreType.DMA,
        pltpu.SemaphoreType.DMA,
        pltpu.SemaphoreType.DMA,
    ],
    compiler_params=pltpu.CompilerParams(
        use_tc_tiling_on_sc=True, needs_layout_passes=False
    ),
)


def kernel(x):
    x1 = x.T.reshape(_B * _COLS)
    stab = jnp.zeros((8, 16), jnp.int32).at[:_NSL].set(
        jnp.asarray(_S_STATIC[: _NSL * 16].reshape(_NSL, 16))
    )
    out1 = _blend(x1, stab)
    return out1.reshape(_COLS, _B).T

# --- scband reference (transcript-rebuilt; emitter-appended) ---
"""Pipeline reference for scband-batch-out-24541443129373 (READ-ONLY COPY).

The authoritative reference and input builder live on the scoring server;
editing this copy changes nothing except your own understanding.
"""

import jax, jax.numpy as jnp
import numpy as np

N_SCALE = 0.5  # init kwarg n
K_FRAC = 0.3   # init kwarg k

def setup_inputs(seed: int = 0) -> dict:
    key = jax.random.key(seed)
    x = jax.random.normal(key, (128, 100000), dtype=jnp.float32)
    return {"x": x}

def reference(x):
    # y = x.detach()
    y = jax.lax.stop_gradient(x)
    B = y.shape[0]
    # _r = np.random.randint(0, B, B)  -> deterministic jax equivalent
    _r = jax.random.randint(jax.random.key(1234), (B,), 0, B)
    _sample = y[_r]                 # row gather
    _d = _sample - y
    _number = int(K_FRAC * B)
    y = y.at[1:_number].add(N_SCALE * _d[1:_number])
    # x.data = y  -> forward value is y, but gradient is identity w.r.t. x
    out = x + jax.lax.stop_gradient(y - x)
    return out

if __name__ == "__main__":
    import jax
    _d = setup_inputs()
    print(jax.jit(kernel)(*tuple(_d.values())))

</pallas_src>

<mosaic_0001>
#map = affine_map<(d0, d1) -> (0)>
#map1 = affine_map<(d0, d1) -> (0, 0)>
module attributes {stable_mosaic.version = 14 : i64} {
  func.func @_body(%arg0: i32, %arg1: i32, %arg2: memref<12800000xf32, #tpu.memory_space<hbm>>, %arg3: memref<8x16xi32, #tpu.memory_space<hbm>>, %arg4: memref<12800000xf32, #tpu.memory_space<hbm>>, %arg5: memref<8x16xi32, #tpu.memory_space<vmem>>, %arg6: memref<25600xf32, #tpu.memory_space<vmem>>, %arg7: memref<25600xf32, #tpu.memory_space<vmem>>, %arg8: memref<25600xf32, #tpu.memory_space<vmem>>, %arg9: memref<25600xf32, #tpu.memory_space<vmem>>, %arg10: memref<!tpu.dma_semaphore, #tpu.memory_space<semaphore_mem>>, %arg11: memref<!tpu.dma_semaphore, #tpu.memory_space<semaphore_mem>>, %arg12: memref<!tpu.dma_semaphore, #tpu.memory_space<semaphore_mem>>, %arg13: memref<!tpu.dma_semaphore, #tpu.memory_space<semaphore_mem>>, %arg14: memref<!tpu.dma_semaphore, #tpu.memory_space<semaphore_mem>>, %arg15: memref<!tpu.dma_semaphore, #tpu.memory_space<semaphore_mem>>, %arg16: memref<!tpu.dma_semaphore, #tpu.memory_space<semaphore_mem>>, %arg17: memref<!tpu.dma_semaphore, #tpu.memory_space<semaphore_mem>>) attributes {dimension_semantics = [#tpu.dimension_semantics<core_parallel>, #tpu.dimension_semantics<subcore_parallel>], iteration_bounds = array<i64: 2, 16>, scalar_prefetch = 0 : i64, scratch_operands = 13 : i64, tpu.core_type = #tpu.core_type<sc_vector_subcore>, window_params = [{transform_indices = #map}, {transform_indices = #map1}, {transform_indices = #map}]} {
    %mul3A = arith.constant 2 : i32
    %mul3A_0 = arith.muli %arg1, %mul3A : i32
    %add3A = arith.addi %mul3A_0, %arg0 : i32
    "tpu.region"() ({
      %run_scoped3A = tpu.sem_alloc : memref<!tpu.dma_semaphore, #tpu.memory_space<semaphore_mem>>
      tpu.enqueue_dma source(%arg3 : memref<8x16xi32, #tpu.memory_space<hbm>>) target(%arg5 : memref<8x16xi32, #tpu.memory_space<vmem>>) target_semaphore(%run_scoped3A : memref<!tpu.dma_semaphore, #tpu.memory_space<semaphore_mem>>)
      tpu.wait_dma2 semaphore(%run_scoped3A : memref<!tpu.dma_semaphore, #tpu.memory_space<semaphore_mem>>) src(%arg3 : memref<8x16xi32, #tpu.memory_space<hbm>>) dst(%arg5 : memref<8x16xi32, #tpu.memory_space<vmem>>)
      tpu.yield
    }) : () -> ()
    %add3A_1 = arith.constant 0 : i32
    %add3A_2 = arith.addi %add3A, %add3A_1 : i32
    %lt3A = arith.constant 500 : i32
    %lt3A_3 = arith.cmpi slt, %add3A_2, %lt3A : i32
    %select_n3A = arith.select %lt3A_3, %add3A_2, %add3A : i32
    %mul3A_4 = arith.constant 25600 : i32
    %mul3A_5 = arith.muli %select_n3A, %mul3A_4 : i32
    %dma_start3A = tpu.memref_slice %arg2[%mul3A_5] : memref<12800000xf32, #tpu.memory_space<hbm>> -> memref<25600xf32, #tpu.memory_space<hbm>>
    %dma_start3A_6 = tpu.memref_slice %arg2[%mul3A_5] : memref<12800000xf32, #tpu.memory_space<hbm>> -> memref<25600xf32, #tpu.memory_space<hbm>>
    tpu.enqueue_dma source(%dma_start3A_6 : memref<25600xf32, #tpu.memory_space<hbm>>) target(%arg6 : memref<25600xf32, #tpu.memory_space<vmem>>) target_semaphore(%arg10 : memref<!tpu.dma_semaphore, #tpu.memory_space<semaphore_mem>>)
    %add3A_7 = arith.constant 32 : i32
    %add3A_8 = arith.addi %add3A, %add3A_7 : i32
    %lt3A_9 = arith.constant 500 : i32
    %lt3A_10 = arith.cmpi slt, %add3A_8, %lt3A_9 : i32
    %select_n3A_11 = arith.select %lt3A_10, %add3A_8, %add3A : i32
    %mul3A_12 = arith.constant 25600 : i32
    %mul3A_13 = arith.muli %select_n3A_11, %mul3A_12 : i32
    %dma_start3A_14 = tpu.memref_slice %arg2[%mul3A_13] : memref<12800000xf32, #tpu.memory_space<hbm>> -> memref<25600xf32, #tpu.memory_space<hbm>>
    %dma_start3A_15 = tpu.memref_slice %arg2[%mul3A_13] : memref<12800000xf32, #tpu.memory_space<hbm>> -> memref<25600xf32, #tpu.memory_space<hbm>>
    tpu.enqueue_dma source(%dma_start3A_15 : memref<25600xf32, #tpu.memory_space<hbm>>) target(%arg7 : memref<25600xf32, #tpu.memory_space<vmem>>) target_semaphore(%arg11 : memref<!tpu.dma_semaphore, #tpu.memory_space<semaphore_mem>>)
    %add3A_16 = arith.constant 64 : i32
    %add3A_17 = arith.addi %add3A, %add3A_16 : i32
    %lt3A_18 = arith.constant 500 : i32
    %lt3A_19 = arith.cmpi slt, %add3A_17, %lt3A_18 : i32
    %select_n3A_20 = arith.select %lt3A_19, %add3A_17, %add3A : i32
    %mul3A_21 = arith.constant 25600 : i32
    %mul3A_22 = arith.muli %select_n3A_20, %mul3A_21 : i32
    %dma_start3A_23 = tpu.memref_slice %arg2[%mul3A_22] : memref<12800000xf32, #tpu.memory_space<hbm>> -> memref<25600xf32, #tpu.memory_space<hbm>>
    %dma_start3A_24 = tpu.memref_slice %arg2[%mul3A_22] : memref<12800000xf32, #tpu.memory_space<hbm>> -> memref<25600xf32, #tpu.memory_space<hbm>>
    tpu.enqueue_dma source(%dma_start3A_24 : memref<25600xf32, #tpu.memory_space<hbm>>) target(%arg8 : memref<25600xf32, #tpu.memory_space<vmem>>) target_semaphore(%arg12 : memref<!tpu.dma_semaphore, #tpu.memory_space<semaphore_mem>>)
    %dma_wait3A = arith.constant 0 : i32
    %dma_wait3A_25 = tpu.memref_slice %arg2[%dma_wait3A] : memref<12800000xf32, #tpu.memory_space<hbm>> -> memref<25600xf32, #tpu.memory_space<hbm>>
    %dma_wait3A_26 = arith.constant 0 : i32
    %dma_wait3A_27 = tpu.memref_slice %arg2[%dma_wait3A_26] : memref<12800000xf32, #tpu.memory_space<hbm>> -> memref<25600xf32, #tpu.memory_space<hbm>>
    tpu.wait_dma2 semaphore(%arg10 : memref<!tpu.dma_semaphore, #tpu.memory_space<semaphore_mem>>) src(%dma_wait3A_27 : memref<25600xf32, #tpu.memory_space<hbm>>) dst(%arg6 : memref<25600xf32, #tpu.memory_space<vmem>>)
    %get3A = arith.constant 0 : i32
    %get3A_28 = arith.index_cast %get3A : i32 to index
    %get3A_29 = arith.constant 0 : index
    %get3A_30 = tpu.vector_load %arg5[%get3A_28, %get3A_29] {strides = array<i32>} : memref<8x16xi32, #tpu.memory_space<vmem>>, vector<16xi32>,
    %get3A_31 = arith.constant 1 : i32
    %get3A_32 = arith.index_cast %get3A_31 : i32 to index
    %get3A_33 = arith.constant 0 : index
    %get3A_34 = tpu.vector_load %arg5[%get3A_32, %get3A_33] {strides = array<i32>} : memref<8x16xi32, #tpu.memory_space<vmem>>, vector<16xi32>,
    %get3A_35 = arith.constant 2 : i32
    %get3A_36 = arith.index_cast %get3A_35 : i32 to index
    %get3A_37 = arith.constant 0 : index
    %get3A_38 = tpu.vector_load %arg5[%get3A_36, %get3A_37] {strides = array<i32>} : memref<8x16xi32, #tpu.memory_space<vmem>>, vector<16xi32>,
    %scan3A = arith.constant 0 : i32
    %scan3A_39 = arith.constant 0 : i32
    %scan3A_40 = arith.constant 200 : i32
    %scan3A_41 = arith.addi %scan3A_39, %scan3A_40 : i32
    %scan3A_42 = arith.constant 1 : i32
    scf.for %scan3A_699 = %scan3A_39 to %scan3A_41 step %scan3A_42  : i32 {
      %mul3A_700 = arith.constant 128 : i32
      %mul3A_701 = arith.muli %scan3A_699, %mul3A_700 : i32
      %add3A_702 = vector.broadcast %mul3A_701 : i32 to vector<16xi32>
      %add3A_703 = arith.addi %get3A_30, %add3A_702 : vector<16xi32>
      %gather3A = tpu.vector_load_idx %arg6[%add3A_703] : memref<25600xf32, #tpu.memory_space<vmem>>[vector<16xi32>], vector<16xf32>,
      %add3A_704 = vector.broadcast %mul3A_701 : i32 to vector<16xi32>
      %add3A_705 = arith.addi %get3A_34, %add3A_704 : vector<16xi32>
      %gather3A_706 = tpu.vector_load_idx %arg6[%add3A_705] : memref<25600xf32, #tpu.memory_space<vmem>>[vector<16xi32>], vector<16xf32>,
      %add3A_707 = vector.broadcast %mul3A_701 : i32 to vector<16xi32>
      %add3A_708 = arith.addi %get3A_38, %add3A_707 : vector<16xi32>
      %gather3A_709 = tpu.vector_load_idx %arg6[%add3A_708] : memref<25600xf32, #tpu.memory_space<vmem>>[vector<16xi32>], vector<16xf32>,
      %add3A_710 = arith.constant 0 : i32
      %add3A_711 = arith.addi %mul3A_701, %add3A_710 : i32
      %get3A_712 = arith.index_cast %add3A_711 : i32 to index
      %get3A_713 = tpu.vector_load %arg6[%get3A_712] {strides = array<i32>} : memref<25600xf32, #tpu.memory_space<vmem>>, vector<16xf32>,
      %sub3A = arith.subf %gather3A, %get3A_713 : vector<16xf32>
      %mul3A_714 = arith.constant 5.000000e-01 : f32
      %mul3A_715 = vector.broadcast %mul3A_714 : f32 to vector<16xf32>
      %mul3A_716 = arith.mulf %sub3A, %mul3A_715 : vector<16xf32>
      %add3A_717 = arith.addf %get3A_713, %mul3A_716 : vector<16xf32>
      %swap3A = arith.index_cast %add3A_711 : i32 to index
      %swap3A_718 = tpu.vector_load %arg6[%swap3A] {strides = array<i32>} : memref<25600xf32, #tpu.memory_space<vmem>>, vector<16xf32>,
      tpu.vector_store %arg6[%swap3A], %add3A_717 {strides = array<i32>} : memref<25600xf32, #tpu.memory_space<vmem>>, vector<16xf32>,
      %add3A_719 = arith.constant 16 : i32
      %add3A_720 = arith.addi %mul3A_701, %add3A_719 : i32
      %get3A_721 = arith.index_cast %add3A_720 : i32 to index
      %get3A_722 = tpu.vector_load %arg6[%get3A_721] {strides = array<i32>} : memref<25600xf32, #tpu.memory_space<vmem>>, vector<16xf32>,
      %sub3A_723 = arith.subf %gather3A_706, %get3A_722 : vector<16xf32>
      %mul3A_724 = arith.constant 5.000000e-01 : f32
      %mul3A_725 = vector.broadcast %mul3A_724 : f32 to vector<16xf32>
      %mul3A_726 = arith.mulf %sub3A_723, %mul3A_725 : vector<16xf32>
      %add3A_727 = arith.addf %get3A_722, %mul3A_726 : vector<16xf32>
      %swap3A_728 = arith.index_cast %add3A_720 : i32 to index
      %swap3A_729 = tpu.vector_load %arg6[%swap3A_728] {strides = array<i32>} : memref<25600xf32, #tpu.memory_space<vmem>>, vector<16xf32>,
      tpu.vector_store %arg6[%swap3A_728], %add3A_727 {strides = array<i32>} : memref<25600xf32, #tpu.memory_space<vmem>>, vector<16xf32>,
      %add3A_730 = arith.constant 32 : i32
      %add3A_731 = arith.addi %mul3A_701, %add3A_730 : i32
      %get3A_732 = arith.index_cast %add3A_731 : i32 to index
      %get3A_733 = tpu.vector_load %arg6[%get3A_732] {strides = array<i32>} : memref<25600xf32, #tpu.memory_space<vmem>>, vector<16xf32>,
      %sub3A_734 = arith.subf %gather3A_709, %get3A_733 : vector<16xf32>
      %mul3A_735 = arith.constant 5.000000e-01 : f32
      %mul3A_736 = vector.broadcast %mul3A_735 : f32 to vector<16xf32>
      %mul3A_737 = arith.mulf %sub3A_734, %mul3A_736 : vector<16xf32>
      %add3A_738 = arith.addf %get3A_733, %mul3A_737 : vector<16xf32>
      %swap3A_739 = arith.index_cast %add3A_731 : i32 to index
      %swap3A_740 = tpu.vector_load %arg6[%swap3A_739] {strides = array<i32>} : memref<25600xf32, #tpu.memory_space<vmem>>, vector<16xf32>,
      tpu.vector_store %arg6[%swap3A_739], %add3A_738 {strides = array<i32>} : memref<25600xf32, #tpu.memory_space<vmem>>, vector<16xf32>,
    }
    %scan3A_43 = arith.constant 200 : i32
    %add3A_44 = arith.constant 0 : i32
    %add3A_45 = arith.addi %add3A, %add3A_44 : i32
    %lt3A_46 = arith.constant 500 : i32
    %lt3A_47 = arith.cmpi slt, %add3A_45, %lt3A_46 : i32
    %select_n3A_48 = arith.select %lt3A_47, %add3A_45, %add3A : i32
    %mul3A_49 = arith.constant 25600 : i32
    %mul3A_50 = arith.muli %select_n3A_48, %mul3A_49 : i32
    %dma_start3A_51 = tpu.memref_slice %arg4[%mul3A_50] : memref<12800000xf32, #tpu.memory_space<hbm>> -> memref<25600xf32, #tpu.memory_space<hbm>>
    %dma_start3A_52 = tpu.memref_slice %arg4[%mul3A_50] : memref<12800000xf32, #tpu.memory_space<hbm>> -> memref<25600xf32, #tpu.memory_space<hbm>>
    tpu.enqueue_dma source(%arg6 : memref<25600xf32, #tpu.memory_space<vmem>>) target(%dma_start3A_52 : memref<25600xf32, #tpu.memory_space<hbm>>) target_semaphore(%arg14 : memref<!tpu.dma_semaphore, #tpu.memory_space<semaphore_mem>>)
    %add3A_53 = arith.constant 96 : i32
    %add3A_54 = arith.addi %add3A, %add3A_53 : i32
    %lt3A_55 = arith.constant 500 : i32
    %lt3A_56 = arith.cmpi slt, %add3A_54, %lt3A_55 : i32
    %select_n3A_57 = arith.select %lt3A_56, %add3A_54, %add3A : i32
    %mul3A_58 = arith.constant 25600 : i32
    %mul3A_59 = arith.muli %select_n3A_57, %mul3A_58 : i32
    %dma_start3A_60 = tpu.memref_slice %arg2[%mul3A_59] : memref<12800000xf32, #tpu.memory_space<hbm>> -> memref<25600xf32, #tpu.memory_space<hbm>>
    %dma_start3A_61 = tpu.memref_slice %arg2[%mul3A_59] : memref<12800000xf32, #tpu.memory_space<hbm>> -> memref<25600xf32, #tpu.memory_space<hbm>>
    tpu.enqueue_dma source(%dma_start3A_61 : memref<25600xf32, #tpu.memory_space<hbm>>) target(%arg9 : memref<25600xf32, #tpu.memory_space<vmem>>) target_semaphore(%arg13 : memref<!tpu.dma_semaphore, #tpu.memory_space<semaphore_mem>>)
    %dma_wait3A_62 = arith.constant 0 : i32
    %dma_wait3A_63 = tpu.memref_slice %arg2[%dma_wait3A_62] : memref<12800000xf32, #tpu.memory_space<hbm>> -> memref<25600xf32, #tpu.memory_space<hbm>>
    %dma_wait3A_64 = arith.constant 0 : i32
    %dma_wait3A_65 = tpu.memref_slice %arg2[%dma_wait3A_64] : memref<12800000xf32, #tpu.memory_space<hbm>> -> memref<25600xf32, #tpu.memory_space<hbm>>
    tpu.wait_dma2 semaphore(%arg11 : memref<!tpu.dma_semaphore, #tpu.memory_space<semaphore_mem>>) src(%dma_wait3A_65 : memref<25600xf32, #tpu.memory_space<hbm>>) dst(%arg7 : memref<25600xf32, #tpu.memory_space<vmem>>)
    %get3A_66 = arith.constant 0 : i32
    %get3A_67 = arith.index_cast %get3A_66 : i32 to index
    %get3A_68 = arith.constant 0 : index
    %get3A_69 = tpu.vector_load %arg5[%get3A_67, %get3A_68] {strides = array<i32>} : memref<8x16xi32, #tpu.memory_space<vmem>>, vector<16xi32>,
    %get3A_70 = arith.constant 1 : i32
    %get3A_71 = arith.index_cast %get3A_70 : i32 to index
    %get3A_72 = arith.constant 0 : index
    %get3A_73 = tpu.vector_load %arg5[%get3A_71, %get3A_72] {strides = array<i32>} : memref<8x16xi32, #tpu.memory_space<vmem>>, vector<16xi32>,
    %get3A_74 = arith.constant 2 : i32
    %get3A_75 = arith.index_cast %get3A_74 : i32 to index
    %get3A_76 = arith.constant 0 : index
    %get3A_77 = tpu.vector_load %arg5[%get3A_75, %get3A_76] {strides = array<i32>} : memref<8x16xi32, #tpu.memory_space<vmem>>, vector<16xi32>,
    %scan3A_78 = arith.constant 0 : i32
    %scan3A_79 = arith.constant 0 : i32
    %scan3A_80 = arith.constant 200 : i32
    %scan3A_81 = arith.addi %scan3A_79, %scan3A_80 : i32
    %scan3A_82 = arith.constant 1 : i32
    scf.for %scan3A_699 = %scan3A_79 to %scan3A_81 step %scan3A_82  : i32 {
      %mul3A_700 = arith.constant 128 : i32
      %mul3A_701 = arith.muli %scan3A_699, %mul3A_700 : i32
      %add3A_702 = vector.broadcast %mul3A_701 : i32 to vector<16xi32>
      %add3A_703 = arith.addi %get3A_69, %add3A_702 : vector<16xi32>
      %gather3A = tpu.vector_load_idx %arg7[%add3A_703] : memref<25600xf32, #tpu.memory_space<vmem>>[vector<16xi32>], vector<16xf32>,
      %add3A_704 = vector.broadcast %mul3A_701 : i32 to vector<16xi32>
      %add3A_705 = arith.addi %get3A_73, %add3A_704 : vector<16xi32>
      %gather3A_706 = tpu.vector_load_idx %arg7[%add3A_705] : memref<25600xf32, #tpu.memory_space<vmem>>[vector<16xi32>], vector<16xf32>,
      %add3A_707 = vector.broadcast %mul3A_701 : i32 to vector<16xi32>
      %add3A_708 = arith.addi %get3A_77, %add3A_707 : vector<16xi32>
      %gather3A_709 = tpu.vector_load_idx %arg7[%add3A_708] : memref<25600xf32, #tpu.memory_space<vmem>>[vector<16xi32>], vector<16xf32>,
      %add3A_710 = arith.constant 0 : i32
      %add3A_711 = arith.addi %mul3A_701, %add3A_710 : i32
      %get3A_712 = arith.index_cast %add3A_711 : i32 to index
      %get3A_713 = tpu.vector_load %arg7[%get3A_712] {strides = array<i32>} : memref<25600xf32, #tpu.memory_space<vmem>>, vector<16xf32>,
      %sub3A = arith.subf %gather3A, %get3A_713 : vector<16xf32>
      %mul3A_714 = arith.constant 5.000000e-01 : f32
      %mul3A_715 = vector.broadcast %mul3A_714 : f32 to vector<16xf32>
      %mul3A_716 = arith.mulf %sub3A, %mul3A_715 : vector<16xf32>
      %add3A_717 = arith.addf %get3A_713, %mul3A_716 : vector<16xf32>
      %swap3A = arith.index_cast %add3A_711 : i32 to index
      %swap3A_718 = tpu.vector_load %arg7[%swap3A] {strides = array<i32>} : memref<25600xf32, #tpu.memory_space<vmem>>, vector<16xf32>,
      tpu.vector_store %arg7[%swap3A], %add3A_717 {strides = array<i32>} : memref<25600xf32, #tpu.memory_space<vmem>>, vector<16xf32>,
      %add3A_719 = arith.constant 16 : i32
      %add3A_720 = arith.addi %mul3A_701, %add3A_719 : i32
      %get3A_721 = arith.index_cast %add3A_720 : i32 to index
      %get3A_722 = tpu.vector_load %arg7[%get3A_721] {strides = array<i32>} : memref<25600xf32, #tpu.memory_space<vmem>>, vector<16xf32>,
      %sub3A_723 = arith.subf %gather3A_706, %get3A_722 : vector<16xf32>
      %mul3A_724 = arith.constant 5.000000e-01 : f32
      %mul3A_725 = vector.broadcast %mul3A_724 : f32 to vector<16xf32>
      %mul3A_726 = arith.mulf %sub3A_723, %mul3A_725 : vector<16xf32>
      %add3A_727 = arith.addf %get3A_722, %mul3A_726 : vector<16xf32>
      %swap3A_728 = arith.index_cast %add3A_720 : i32 to index
      %swap3A_729 = tpu.vector_load %arg7[%swap3A_728] {strides = array<i32>} : memref<25600xf32, #tpu.memory_space<vmem>>, vector<16xf32>,
      tpu.vector_store %arg7[%swap3A_728], %add3A_727 {strides = array<i32>} : memref<25600xf32, #tpu.memory_space<vmem>>, vector<16xf32>,
      %add3A_730 = arith.constant 32 : i32
      %add3A_731 = arith.addi %mul3A_701, %add3A_730 : i32
      %get3A_732 = arith.index_cast %add3A_731 : i32 to index
      %get3A_733 = tpu.vector_load %arg7[%get3A_732] {strides = array<i32>} : memref<25600xf32, #tpu.memory_space<vmem>>, vector<16xf32>,
      %sub3A_734 = arith.subf %gather3A_709, %get3A_733 : vector<16xf32>
      %mul3A_735 = arith.constant 5.000000e-01 : f32
      %mul3A_736 = vector.broadcast %mul3A_735 : f32 to vector<16xf32>
      %mul3A_737 = arith.mulf %sub3A_734, %mul3A_736 : vector<16xf32>
      %add3A_738 = arith.addf %get3A_733, %mul3A_737 : vector<16xf32>
      %swap3A_739 = arith.index_cast %add3A_731 : i32 to index
      %swap3A_740 = tpu.vector_load %arg7[%swap3A_739] {strides = array<i32>} : memref<25600xf32, #tpu.memory_space<vmem>>, vector<16xf32>,
      tpu.vector_store %arg7[%swap3A_739], %add3A_738 {strides = array<i32>} : memref<25600xf32, #tpu.memory_space<vmem>>, vector<16xf32>,
    }
    %scan3A_83 = arith.constant 200 : i32
    %add3A_84 = arith.constant 32 : i32
    %add3A_85 = arith.addi %add3A, %add3A_84 : i32
    %lt3A_86 = arith.constant 500 : i32
    %lt3A_87 = arith.cmpi slt, %add3A_85, %lt3A_86 : i32
    %select_n3A_88 = arith.select %lt3A_87, %add3A_85, %add3A : i32
    %mul3A_89 = arith.constant 25600 : i32
    %mul3A_90 = arith.muli %select_n3A_88, %mul3A_89 : i32
    %dma_start3A_91 = tpu.memref_slice %arg4[%mul3A_90] : memref<12800000xf32, #tpu.memory_space<hbm>> -> memref<25600xf32, #tpu.memory_space<hbm>>
    %dma_start3A_92 = tpu.memref_slice %arg4[%mul3A_90] : memref<12800000xf32, #tpu.memory_space<hbm>> -> memref<25600xf32, #tpu.memory_space<hbm>>
    tpu.enqueue_dma source(%arg7 : memref<25600xf32, #tpu.memory_space<vmem>>) target(%dma_start3A_92 : memref<25600xf32, #tpu.memory_space<hbm>>) target_semaphore(%arg15 : memref<!tpu.dma_semaphore, #tpu.memory_space<semaphore_mem>>)
    %dma_wait3A_93 = arith.constant 0 : i32
    %dma_wait3A_94 = tpu.memref_slice %arg4[%dma_wait3A_93] : memref<12800000xf32, #tpu.memory_space<hbm>> -> memref<25600xf32, #tpu.memory_space<hbm>>
    %dma_wait3A_95 = arith.constant 0 : i32
    %dma_wait3A_96 = tpu.memref_slice %arg4[%dma_wait3A_95] : memref<12800000xf32, #tpu.memory_space<hbm>> -> memref<25600xf32, #tpu.memory_space<hbm>>
    tpu.wait_dma2 semaphore(%arg14 : memref<!tpu.dma_semaphore, #tpu.memory_space<semaphore_mem>>) src(%arg6 : memref<25600xf32, #tpu.memory_space<vmem>>) dst(%dma_wait3A_96 : memref<25600xf32, #tpu.memory_space<hbm>>)
    %add3A_97 = arith.constant 128 : i32
    %add3A_98 = arith.addi %add3A, %add3A_97 : i32
    %lt3A_99 = arith.constant 500 : i32
    %lt3A_100 = arith.cmpi slt, %add3A_98, %lt3A_99 : i32
    %select_n3A_101 = arith.select %lt3A_100, %add3A_98, %add3A : i32
    %mul3A_102 = arith.constant 25600 : i32
    %mul3A_103 = arith.muli %select_n3A_101, %mul3A_102 : i32
    %dma_start3A_104 = tpu.memref_slice %arg2[%mul3A_103] : memref<12800000xf32, #tpu.memory_space<hbm>> -> memref<25600xf32, #tpu.memory_space<hbm>>
    %dma_start3A_105 = tpu.memref_slice %arg2[%mul3A_103] : memref<12800000xf32, #tpu.memory_space<hbm>> -> memref<25600xf32, #tpu.memory_space<hbm>>
    tpu.enqueue_dma source(%dma_start3A_105 : memref<25600xf32, #tpu.memory_space<hbm>>) target(%arg6 : memref<25600xf32, #tpu.memory_space<vmem>>) target_semaphore(%arg10 : memref<!tpu.dma_semaphore, #tpu.memory_space<semaphore_mem>>)
    %dma_wait3A_106 = arith.constant 0 : i32
    %dma_wait3A_107 = tpu.memref_slice %arg2[%dma_wait3A_106] : memref<12800000xf32, #tpu.memory_space<hbm>> -> memref<25600xf32, #tpu.memory_space<hbm>>
    %dma_wait3A_108 = arith.constant 0 : i32
    %dma_wait3A_109 = tpu.memref_slice %arg2[%dma_wait3A_108] : memref<12800000xf32, #tpu.memory_space<hbm>> -> memref<25600xf32, #tpu.memory_space<hbm>>
    tpu.wait_dma2 semaphore(%arg12 : memref<!tpu.dma_semaphore, #tpu.memory_space<semaphore_mem>>) src(%dma_wait3A_109 : memref<25600xf32, #tpu.memory_space<hbm>>) dst(%arg8 : memref<25600xf32, #tpu.memory_space<vmem>>)
    %get3A_110 = arith.constant 0 : i32
    %get3A_111 = arith.index_cast %get3A_110 : i32 to index
    %get3A_112 = arith.constant 0 : index
    %get3A_113 = tpu.vector_load %arg5[%get3A_111, %get3A_112] {strides = array<i32>} : memref<8x16xi32, #tpu.memory_space<vmem>>, vector<16xi32>,
    %get3A_114 = arith.constant 1 : i32
    %get3A_115 = arith.index_cast %get3A_114 : i32 to index
    %get3A_116 = arith.constant 0 : index
    %get3A_117 = tpu.vector_load %arg5[%get3A_115, %get3A_116] {strides = array<i32>} : memref<8x16xi32, #tpu.memory_space<vmem>>, vector<16xi32>,
    %get3A_118 = arith.constant 2 : i32
    %get3A_119 = arith.index_cast %get3A_118 : i32 to index
    %get3A_120 = arith.constant 0 : index
    %get3A_121 = tpu.vector_load %arg5[%get3A_119, %get3A_120] {strides = array<i32>} : memref<8x16xi32, #tpu.memory_space<vmem>>, vector<16xi32>,
    %scan3A_122 = arith.constant 0 : i32
    %scan3A_123 = arith.constant 0 : i32
    %scan3A_124 = arith.constant 200 : i32
    %scan3A_125 = arith.addi %scan3A_123, %scan3A_124 : i32
    %scan3A_126 = arith.constant 1 : i32
    scf.for %scan3A_699 = %scan3A_123 to %scan3A_125 step %scan3A_126  : i32 {
      %mul3A_700 = arith.constant 128 : i32
      %mul3A_701 = arith.muli %scan3A_699, %mul3A_700 : i32
      %add3A_702 = vector.broadcast %mul3A_701 : i32 to vector<16xi32>
      %add3A_703 = arith.addi %get3A_113, %add3A_702 : vector<16xi32>
      %gather3A = tpu.vector_load_idx %arg8[%add3A_703] : memref<25600xf32, #tpu.memory_space<vmem>>[vector<16xi32>], vector<16xf32>,
      %add3A_704 = vector.broadcast %mul3A_701 : i32 to vector<16xi32>
      %add3A_705 = arith.addi %get3A_117, %add3A_704 : vector<16xi32>
      %gather3A_706 = tpu.vector_load_idx %arg8[%add3A_705] : memref<25600xf32, #tpu.memory_space<vmem>>[vector<16xi32>], vector<16xf32>,
      %add3A_707 = vector.broadcast %mul3A_701 : i32 to vector<16xi32>
      %add3A_708 = arith.addi %get3A_121, %add3A_707 : vector<16xi32>
      %gather3A_709 = tpu.vector_load_idx %arg8[%add3A_708] : memref<25600xf32, #tpu.memory_space<vmem>>[vector<16xi32>], vector<16xf32>,
      %add3A_710 = arith.constant 0 : i32
      %add3A_711 = arith.addi %mul3A_701, %add3A_710 : i32
      %get3A_712 = arith.index_cast %add3A_711 : i32 to index
      %get3A_713 = tpu.vector_load %arg8[%get3A_712] {strides = array<i32>} : memref<25600xf32, #tpu.memory_space<vmem>>, vector<16xf32>,
      %sub3A = arith.subf %gather3A, %get3A_713 : vector<16xf32>
      %mul3A_714 = arith.constant 5.000000e-01 : f32
      %mul3A_715 = vector.broadcast %mul3A_714 : f32 to vector<16xf32>
      %mul3A_716 = arith.mulf %sub3A, %mul3A_715 : vector<16xf32>
      %add3A_717 = arith.addf %get3A_713, %mul3A_716 : vector<16xf32>
      %swap3A = arith.index_cast %add3A_711 : i32 to index
      %swap3A_718 = tpu.vector_load %arg8[%swap3A] {strides = array<i32>} : memref<25600xf32, #tpu.memory_space<vmem>>, vector<16xf32>,
      tpu.vector_store %arg8[%swap3A], %add3A_717 {strides = array<i32>} : memref<25600xf32, #tpu.memory_space<vmem>>, vector<16xf32>,
      %add3A_719 = arith.constant 16 : i32
      %add3A_720 = arith.addi %mul3A_701, %add3A_719 : i32
      %get3A_721 = arith.index_cast %add3A_720 : i32 to index
      %get3A_722 = tpu.vector_load %arg8[%get3A_721] {strides = array<i32>} : memref<25600xf32, #tpu.memory_space<vmem>>, vector<16xf32>,
      %sub3A_723 = arith.subf %gather3A_706, %get3A_722 : vector<16xf32>
      %mul3A_724 = arith.constant 5.000000e-01 : f32
      %mul3A_725 = vector.broadcast %mul3A_724 : f32 to vector<16xf32>
      %mul3A_726 = arith.mulf %sub3A_723, %mul3A_725 : vector<16xf32>
      %add3A_727 = arith.addf %get3A_722, %mul3A_726 : vector<16xf32>
      %swap3A_728 = arith.index_cast %add3A_720 : i32 to index
      %swap3A_729 = tpu.vector_load %arg8[%swap3A_728] {strides = array<i32>} : memref<25600xf32, #tpu.memory_space<vmem>>, vector<16xf32>,
      tpu.vector_store %arg8[%swap3A_728], %add3A_727 {strides = array<i32>} : memref<25600xf32, #tpu.memory_space<vmem>>, vector<16xf32>,
      %add3A_730 = arith.constant 32 : i32
      %add3A_731 = arith.addi %mul3A_701, %add3A_730 : i32
      %get3A_732 = arith.index_cast %add3A_731 : i32 to index
      %get3A_733 = tpu.vector_load %arg8[%get3A_732] {strides = array<i32>} : memref<25600xf32, #tpu.memory_space<vmem>>, vector<16xf32>,
      %sub3A_734 = arith.subf %gather3A_709, %get3A_733 : vector<16xf32>
      %mul3A_735 = arith.constant 5.000000e-01 : f32
      %mul3A_736 = vector.broadcast %mul3A_735 : f32 to vector<16xf32>
      %mul3A_737 = arith.mulf %sub3A_734, %mul3A_736 : vector<16xf32>
      %add3A_738 = arith.addf %get3A_733, %mul3A_737 : vector<16xf32>
      %swap3A_739 = arith.index_cast %add3A_731 : i32 to index
      %swap3A_740 = tpu.vector_load %arg8[%swap3A_739] {strides = array<i32>} : memref<25600xf32, #tpu.memory_space<vmem>>, vector<16xf32>,
      tpu.vector_store %arg8[%swap3A_739], %add3A_738 {strides = array<i32>} : memref<25600xf32, #tpu.memory_space<vmem>>, vector<16xf32>,
    }
    %scan3A_127 = arith.constant 200 : i32
    %add3A_128 = arith.constant 64 : i32
    %add3A_129 = arith.addi %add3A, %add3A_128 : i32
    %lt3A_130 = arith.constant 500 : i32
    %lt3A_131 = arith.cmpi slt, %add3A_129, %lt3A_130 : i32
    %select_n3A_132 = arith.select %lt3A_131, %add3A_129, %add3A : i32
    %mul3A_133 = arith.constant 25600 : i32
    %mul3A_134 = arith.muli %select_n3A_132, %mul3A_133 : i32
    %dma_start3A_135 = tpu.memref_slice %arg4[%mul3A_134] : memref<12800000xf32, #tpu.memory_space<hbm>> -> memref<25600xf32, #tpu.memory_space<hbm>>
    %dma_start3A_136 = tpu.memref_slice %arg4[%mul3A_134] : memref<12800000xf32, #tpu.memory_space<hbm>> -> memref<25600xf32, #tpu.memory_space<hbm>>
    tpu.enqueue_dma source(%arg8 : memref<25600xf32, #tpu.memory_space<vmem>>) target(%dma_start3A_136 : memref<25600xf32, #tpu.memory_space<hbm>>) target_semaphore(%arg16 : memref<!tpu.dma_semaphore, #tpu.memory_space<semaphore_mem>>)
    %dma_wait3A_137 = arith.constant 0 : i32
    %dma_wait3A_138 = tpu.memref_slice %arg4[%dma_wait3A_137] : memref<12800000xf32, #tpu.memory_space<hbm>> -> memref<25600xf32, #tpu.memory_space<hbm>>
    %dma_wait3A_139 = arith.constant 0 : i32
    %dma_wait3A_140 = tpu.memref_slice %arg4[%dma_wait3A_139] : memref<12800000xf32, #tpu.memory_space<hbm>> -> memref<25600xf32, #tpu.memory_space<hbm>>
    tpu.wait_dma2 semaphore(%arg15 : memref<!tpu.dma_semaphore, #tpu.memory_space<semaphore_mem>>) src(%arg7 : memref<25600xf32, #tpu.memory_space<vmem>>) dst(%dma_wait3A_140 : memref<25600xf32, #tpu.memory_space<hbm>>)
    %add3A_141 = arith.constant 160 : i32
    %add3A_142 = arith.addi %add3A, %add3A_141 : i32
    %lt3A_143 = arith.constant 500 : i32
    %lt3A_144 = arith.cmpi slt, %add3A_142, %lt3A_143 : i32
    %select_n3A_145 = arith.select %lt3A_144, %add3A_142, %add3A : i32
    %mul3A_146 = arith.constant 25600 : i32
    %mul3A_147 = arith.muli %select_n3A_145, %mul3A_146 : i32
    %dma_start3A_148 = tpu.memref_slice %arg2[%mul3A_147] : memref<12800000xf32, #tpu.memory_space<hbm>> -> memref<25600xf32, #tpu.memory_space<hbm>>
    %dma_start3A_149 = tpu.memref_slice %arg2[%mul3A_147] : memref<12800000xf32, #tpu.memory_space<hbm>> -> memref<25600xf32, #tpu.memory_space<hbm>>
    tpu.enqueue_dma source(%dma_start3A_149 : memref<25600xf32, #tpu.memory_space<hbm>>) target(%arg7 : memref<25600xf32, #tpu.memory_space<vmem>>) target_semaphore(%arg11 : memref<!tpu.dma_semaphore, #tpu.memory_space<semaphore_mem>>)
    %dma_wait3A_150 = arith.constant 0 : i32
    %dma_wait3A_151 = tpu.memref_slice %arg2[%dma_wait3A_150] : memref<12800000xf32, #tpu.memory_space<hbm>> -> memref<25600xf32, #tpu.memory_space<hbm>>
    %dma_wait3A_152 = arith.constant 0 : i32
    %dma_wait3A_153 = tpu.memref_slice %arg2[%dma_wait3A_152] : memref<12800000xf32, #tpu.memory_space<hbm>> -> memref<25600xf32, #tpu.memory_space<hbm>>
    tpu.wait_dma2 semaphore(%arg13 : memref<!tpu.dma_semaphore, #tpu.memory_space<semaphore_mem>>) src(%dma_wait3A_153 : memref<25600xf32, #tpu.memory_space<hbm>>) dst(%arg9 : memref<25600xf32, #tpu.memory_space<vmem>>)
    %get3A_154 = arith.constant 0 : i32
    %get3A_155 = arith.index_cast %get3A_154 : i32 to index
    %get3A_156 = arith.constant 0 : index
    %get3A_157 = tpu.vector_load %arg5[%get3A_155, %get3A_156] {strides = array<i32>} : memref<8x16xi32, #tpu.memory_space<vmem>>, vector<16xi32>,
    %get3A_158 = arith.constant 1 : i32
    %get3A_159 = arith.index_cast %get3A_158 : i32 to index
    %get3A_160 = arith.constant 0 : index
    %get3A_161 = tpu.vector_load %arg5[%get3A_159, %get3A_160] {strides = array<i32>} : memref<8x16xi32, #tpu.memory_space<vmem>>, vector<16xi32>,
    %get3A_162 = arith.constant 2 : i32
    %get3A_163 = arith.index_cast %get3A_162 : i32 to index
    %get3A_164 = arith.constant 0 : index
    %get3A_165 = tpu.vector_load %arg5[%get3A_163, %get3A_164] {strides = array<i32>} : memref<8x16xi32, #tpu.memory_space<vmem>>, vector<16xi32>,
    %scan3A_166 = arith.constant 0 : i32
    %scan3A_167 = arith.constant 0 : i32
    %scan3A_168 = arith.constant 200 : i32
    %scan3A_169 = arith.addi %scan3A_167, %scan3A_168 : i32
    %scan3A_170 = arith.constant 1 : i32
    scf.for %scan3A_699 = %scan3A_167 to %scan3A_169 step %scan3A_170  : i32 {
      %mul3A_700 = arith.constant 128 : i32
      %mul3A_701 = arith.muli %scan3A_699, %mul3A_700 : i32
      %add3A_702 = vector.broadcast %mul3A_701 : i32 to vector<16xi32>
      %add3A_703 = arith.addi %get3A_157, %add3A_702 : vector<16xi32>
      %gather3A = tpu.vector_load_idx %arg9[%add3A_703] : memref<25600xf32, #tpu.memory_space<vmem>>[vector<16xi32>], vector<16xf32>,
      %add3A_704 = vector.broadcast %mul3A_701 : i32 to vector<16xi32>
      %add3A_705 = arith.addi %get3A_161, %add3A_704 : vector<16xi32>
      %gather3A_706 = tpu.vector_load_idx %arg9[%add3A_705] : memref<25600xf32, #tpu.memory_space<vmem>>[vector<16xi32>], vector<16xf32>,
      %add3A_707 = vector.broadcast %mul3A_701 : i32 to vector<16xi32>
      %add3A_708 = arith.addi %get3A_165, %add3A_707 : vector<16xi32>
      %gather3A_709 = tpu.vector_load_idx %arg9[%add3A_708] : memref<25600xf32, #tpu.memory_space<vmem>>[vector<16xi32>], vector<16xf32>,
      %add3A_710 = arith.constant 0 : i32
      %add3A_711 = arith.addi %mul3A_701, %add3A_710 : i32
      %get3A_712 = arith.index_cast %add3A_711 : i32 to index
      %get3A_713 = tpu.vector_load %arg9[%get3A_712] {strides = array<i32>} : memref<25600xf32, #tpu.memory_space<vmem>>, vector<16xf32>,
      %sub3A = arith.subf %gather3A, %get3A_713 : vector<16xf32>
      %mul3A_714 = arith.constant 5.000000e-01 : f32
      %mul3A_715 = vector.broadcast %mul3A_714 : f32 to vector<16xf32>
      %mul3A_716 = arith.mulf %sub3A, %mul3A_715 : vector<16xf32>
      %add3A_717 = arith.addf %get3A_713, %mul3A_716 : vector<16xf32>
      %swap3A = arith.index_cast %add3A_711 : i32 to index
      %swap3A_718 = tpu.vector_load %arg9[%swap3A] {strides = array<i32>} : memref<25600xf32, #tpu.memory_space<vmem>>, vector<16xf32>,
      tpu.vector_store %arg9[%swap3A], %add3A_717 {strides = array<i32>} : memref<25600xf32, #tpu.memory_space<vmem>>, vector<16xf32>,
      %add3A_719 = arith.constant 16 : i32
      %add3A_720 = arith.addi %mul3A_701, %add3A_719 : i32
      %get3A_721 = arith.index_cast %add3A_720 : i32 to index
      %get3A_722 = tpu.vector_load %arg9[%get3A_721] {strides = array<i32>} : memref<25600xf32, #tpu.memory_space<vmem>>, vector<16xf32>,
      %sub3A_723 = arith.subf %gather3A_706, %get3A_722 : vector<16xf32>
      %mul3A_724 = arith.constant 5.000000e-01 : f32
      %mul3A_725 = vector.broadcast %mul3A_724 : f32 to vector<16xf32>
      %mul3A_726 = arith.mulf %sub3A_723, %mul3A_725 : vector<16xf32>
      %add3A_727 = arith.addf %get3A_722, %mul3A_726 : vector<16xf32>
      %swap3A_728 = arith.index_cast %add3A_720 : i32 to index
      %swap3A_729 = tpu.vector_load %arg9[%swap3A_728] {strides = array<i32>} : memref<25600xf32, #tpu.memory_space<vmem>>, vector<16xf32>,
      tpu.vector_store %arg9[%swap3A_728], %add3A_727 {strides = array<i32>} : memref<25600xf32, #tpu.memory_space<vmem>>, vector<16xf32>,
      %add3A_730 = arith.constant 32 : i32
      %add3A_731 = arith.addi %mul3A_701, %add3A_730 : i32
      %get3A_732 = arith.index_cast %add3A_731 : i32 to index
      %get3A_733 = tpu.vector_load %arg9[%get3A_732] {strides = array<i32>} : memref<25600xf32, #tpu.memory_space<vmem>>, vector<16xf32>,
      %sub3A_734 = arith.subf %gather3A_709, %get3A_733 : vector<16xf32>
      %mul3A_735 = arith.constant 5.000000e-01 : f32
      %mul3A_736 = vector.broadcast %mul3A_735 : f32 to vector<16xf32>
      %mul3A_737 = arith.mulf %sub3A_734, %mul3A_736 : vector<16xf32>
      %add3A_738 = arith.addf %get3A_733, %mul3A_737 : vector<16xf32>
      %swap3A_739 = arith.index_cast %add3A_731 : i32 to index
      %swap3A_740 = tpu.vector_load %arg9[%swap3A_739] {strides = array<i32>} : memref<25600xf32, #tpu.memory_space<vmem>>, vector<16xf32>,
      tpu.vector_store %arg9[%swap3A_739], %add3A_738 {strides = array<i32>} : memref<25600xf32, #tpu.memory_space<vmem>>, vector<16xf32>,
    }
    %scan3A_171 = arith.constant 200 : i32
    %add3A_172 = arith.constant 96 : i32
    %add3A_173 = arith.addi %add3A, %add3A_172 : i32
    %lt3A_174 = arith.constant 500 : i32
    %lt3A_175 = arith.cmpi slt, %add3A_173, %lt3A_174 : i32
    %select_n3A_176 = arith.select %lt3A_175, %add3A_173, %add3A : i32
    %mul3A_177 = arith.constant 25600 : i32
    %mul3A_178 = arith.muli %select_n3A_176, %mul3A_177 : i32
    %dma_start3A_179 = tpu.memref_slice %arg4[%mul3A_178] : memref<12800000xf32, #tpu.memory_space<hbm>> -> memref<25600xf32, #tpu.memory_space<hbm>>
    %dma_start3A_180 = tpu.memref_slice %arg4[%mul3A_178] : memref<12800000xf32, #tpu.memory_space<hbm>> -> memref<25600xf32, #tpu.memory_space<hbm>>
    tpu.enqueue_dma source(%arg9 : memref<25600xf32, #tpu.memory_space<vmem>>) target(%dma_start3A_180 : memref<25600xf32, #tpu.memory_space<hbm>>) target_semaphore(%arg17 : memref<!tpu.dma_semaphore, #tpu.memory_space<semaphore_mem>>)
    %dma_wait3A_181 = arith.constant 0 : i32
    %dma_wait3A_182 = tpu.memref_slice %arg4[%dma_wait3A_181] : memref<12800000xf32, #tpu.memory_space<hbm>> -> memref<25600xf32, #tpu.memory_space<hbm>>
    %dma_wait3A_183 = arith.constant 0 : i32
    %dma_wait3A_184 = tpu.memref_slice %arg4[%dma_wait3A_183] : memref<12800000xf32, #tpu.memory_space<hbm>> -> memref<25600xf32, #tpu.memory_space<hbm>>
    tpu.wait_dma2 semaphore(%arg16 : memref<!tpu.dma_semaphore, #tpu.memory_space<semaphore_mem>>) src(%arg8 : memref<25600xf32, #tpu.memory_space<vmem>>) dst(%dma_wait3A_184 : memref<25600xf32, #tpu.memory_space<hbm>>)
    %add3A_185 = arith.constant 192 : i32
    %add3A_186 = arith.addi %add3A, %add3A_185 : i32
    %lt3A_187 = arith.constant 500 : i32
    %lt3A_188 = arith.cmpi slt, %add3A_186, %lt3A_187 : i32
    %select_n3A_189 = arith.select %lt3A_188, %add3A_186, %add3A : i32
    %mul3A_190 = arith.constant 25600 : i32
    %mul3A_191 = arith.muli %select_n3A_189, %mul3A_190 : i32
    %dma_start3A_192 = tpu.memref_slice %arg2[%mul3A_191] : memref<12800000xf32, #tpu.memory_space<hbm>> -> memref<25600xf32, #tpu.memory_space<hbm>>
    %dma_start3A_193 = tpu.memref_slice %arg2[%mul3A_191] : memref<12800000xf32, #tpu.memory_space<hbm>> -> memref<25600xf32, #tpu.memory_space<hbm>>
    tpu.enqueue_dma source(%dma_start3A_193 : memref<25600xf32, #tpu.memory_space<hbm>>) target(%arg8 : memref<25600xf32, #tpu.memory_space<vmem>>) target_semaphore(%arg12 : memref<!tpu.dma_semaphore, #tpu.memory_space<semaphore_mem>>)
    %dma_wait3A_194 = arith.constant 0 : i32
    %dma_wait3A_195 = tpu.memref_slice %arg2[%dma_wait3A_194] : memref<12800000xf32, #tpu.memory_space<hbm>> -> memref<25600xf32, #tpu.memory_space<hbm>>
    %dma_wait3A_196 = arith.constant 0 : i32
    %dma_wait3A_197 = tpu.memref_slice %arg2[%dma_wait3A_196] : memref<12800000xf32, #tpu.memory_space<hbm>> -> memref<25600xf32, #tpu.memory_space<hbm>>
    tpu.wait_dma2 semaphore(%arg10 : memref<!tpu.dma_semaphore, #tpu.memory_space<semaphore_mem>>) src(%dma_wait3A_197 : memref<25600xf32, #tpu.memory_space<hbm>>) dst(%arg6 : memref<25600xf32, #tpu.memory_space<vmem>>)
    %get3A_198 = arith.constant 0 : i32
    %get3A_199 = arith.index_cast %get3A_198 : i32 to index
    %get3A_200 = arith.constant 0 : index
    %get3A_201 = tpu.vector_load %arg5[%get3A_199, %get3A_200] {strides = array<i32>} : memref<8x16xi32, #tpu.memory_space<vmem>>, vector<16xi32>,
    %get3A_202 = arith.constant 1 : i32
    %get3A_203 = arith.index_cast %get3A_202 : i32 to index
    %get3A_204 = arith.constant 0 : index
    %get3A_205 = tpu.vector_load %arg5[%get3A_203, %get3A_204] {strides = array<i32>} : memref<8x16xi32, #tpu.memory_space<vmem>>, vector<16xi32>,
    %get3A_206 = arith.constant 2 : i32
    %get3A_207 = arith.index_cast %get3A_206 : i32 to index
    %get3A_208 = arith.constant 0 : index
    %get3A_209 = tpu.vector_load %arg5[%get3A_207, %get3A_208] {strides = array<i32>} : memref<8x16xi32, #tpu.memory_space<vmem>>, vector<16xi32>,
    %scan3A_210 = arith.constant 0 : i32
    %scan3A_211 = arith.constant 0 : i32
    %scan3A_212 = arith.constant 200 : i32
    %scan3A_213 = arith.addi %scan3A_211, %scan3A_212 : i32
    %scan3A_214 = arith.constant 1 : i32
    scf.for %scan3A_699 = %scan3A_211 to %scan3A_213 step %scan3A_214  : i32 {
      %mul3A_700 = arith.constant 128 : i32
      %mul3A_701 = arith.muli %scan3A_699, %mul3A_700 : i32
      %add3A_702 = vector.broadcast %mul3A_701 : i32 to vector<16xi32>
      %add3A_703 = arith.addi %get3A_201, %add3A_702 : vector<16xi32>
      %gather3A = tpu.vector_load_idx %arg6[%add3A_703] : memref<25600xf32, #tpu.memory_space<vmem>>[vector<16xi32>], vector<16xf32>,
      %add3A_704 = vector.broadcast %mul3A_701 : i32 to vector<16xi32>
      %add3A_705 = arith.addi %get3A_205, %add3A_704 : vector<16xi32>
      %gather3A_706 = tpu.vector_load_idx %arg6[%add3A_705] : memref<25600xf32, #tpu.memory_space<vmem>>[vector<16xi32>], vector<16xf32>,
      %add3A_707 = vector.broadcast %mul3A_701 : i32 to vector<16xi32>
      %add3A_708 = arith.addi %get3A_209, %add3A_707 : vector<16xi32>
      %gather3A_709 = tpu.vector_load_idx %arg6[%add3A_708] : memref<25600xf32, #tpu.memory_space<vmem>>[vector<16xi32>], vector<16xf32>,
      %add3A_710 = arith.constant 0 : i32
      %add3A_711 = arith.addi %mul3A_701, %add3A_710 : i32
      %get3A_712 = arith.index_cast %add3A_711 : i32 to index
      %get3A_713 = tpu.vector_load %arg6[%get3A_712] {strides = array<i32>} : memref<25600xf32, #tpu.memory_space<vmem>>, vector<16xf32>,
      %sub3A = arith.subf %gather3A, %get3A_713 : vector<16xf32>
      %mul3A_714 = arith.constant 5.000000e-01 : f32
      %mul3A_715 = vector.broadcast %mul3A_714 : f32 to vector<16xf32>
      %mul3A_716 = arith.mulf %sub3A, %mul3A_715 : vector<16xf32>
      %add3A_717 = arith.addf %get3A_713, %mul3A_716 : vector<16xf32>
      %swap3A = arith.index_cast %add3A_711 : i32 to index
      %swap3A_718 = tpu.vector_load %arg6[%swap3A] {strides = array<i32>} : memref<25600xf32, #tpu.memory_space<vmem>>, vector<16xf32>,
      tpu.vector_store %arg6[%swap3A], %add3A_717 {strides = array<i32>} : memref<25600xf32, #tpu.memory_space<vmem>>, vector<16xf32>,
      %add3A_719 = arith.constant 16 : i32
      %add3A_720 = arith.addi %mul3A_701, %add3A_719 : i32
      %get3A_721 = arith.index_cast %add3A_720 : i32 to index
      %get3A_722 = tpu.vector_load %arg6[%get3A_721] {strides = array<i32>} : memref<25600xf32, #tpu.memory_space<vmem>>, vector<16xf32>,
      %sub3A_723 = arith.subf %gather3A_706, %get3A_722 : vector<16xf32>
      %mul3A_724 = arith.constant 5.000000e-01 : f32
      %mul3A_725 = vector.broadcast %mul3A_724 : f32 to vector<16xf32>
      %mul3A_726 = arith.mulf %sub3A_723, %mul3A_725 : vector<16xf32>
      %add3A_727 = arith.addf %get3A_722, %mul3A_726 : vector<16xf32>
      %swap3A_728 = arith.index_cast %add3A_720 : i32 to index
      %swap3A_729 = tpu.vector_load %arg6[%swap3A_728] {strides = array<i32>} : memref<25600xf32, #tpu.memory_space<vmem>>, vector<16xf32>,
      tpu.vector_store %arg6[%swap3A_728], %add3A_727 {strides = array<i32>} : memref<25600xf32, #tpu.memory_space<vmem>>, vector<16xf32>,
      %add3A_730 = arith.constant 32 : i32
      %add3A_731 = arith.addi %mul3A_701, %add3A_730 : i32
      %get3A_732 = arith.index_cast %add3A_731 : i32 to index
      %get3A_733 = tpu.vector_load %arg6[%get3A_732] {strides = array<i32>} : memref<25600xf32, #tpu.memory_space<vmem>>, vector<16xf32>,
      %sub3A_734 = arith.subf %gather3A_709, %get3A_733 : vector<16xf32>
      %mul3A_735 = arith.constant 5.000000e-01 : f32
      %mul3A_736 = vector.broadcast %mul3A_735 : f32 to vector<16xf32>
      %mul3A_737 = arith.mulf %sub3A_734, %mul3A_736 : vector<16xf32>
      %add3A_738 = arith.addf %get3A_733, %mul3A_737 : vector<16xf32>
      %swap3A_739 = arith.index_cast %add3A_731 : i32 to index
      %swap3A_740 = tpu.vector_load %arg6[%swap3A_739] {strides = array<i32>} : memref<25600xf32, #tpu.memory_space<vmem>>, vector<16xf32>,
      tpu.vector_store %arg6[%swap3A_739], %add3A_738 {strides = array<i32>} : memref<25600xf32, #tpu.memory_space<vmem>>, vector<16xf32>,
    }
    %scan3A_215 = arith.constant 200 : i32
    %add3A_216 = arith.constant 128 : i32
    %add3A_217 = arith.addi %add3A, %add3A_216 : i32
    %lt3A_218 = arith.constant 500 : i32
    %lt3A_219 = arith.cmpi slt, %add3A_217, %lt3A_218 : i32
    %select_n3A_220 = arith.select %lt3A_219, %add3A_217, %add3A : i32
    %mul3A_221 = arith.constant 25600 : i32
    %mul3A_222 = arith.muli %select_n3A_220, %mul3A_221 : i32
    %dma_start3A_223 = tpu.memref_slice %arg4[%mul3A_222] : memref<12800000xf32, #tpu.memory_space<hbm>> -> memref<25600xf32, #tpu.memory_space<hbm>>
    %dma_start3A_224 = tpu.memref_slice %arg4[%mul3A_222] : memref<12800000xf32, #tpu.memory_space<hbm>> -> memref<25600xf32, #tpu.memory_space<hbm>>
    tpu.enqueue_dma source(%arg6 : memref<25600xf32, #tpu.memory_space<vmem>>) target(%dma_start3A_224 : memref<25600xf32, #tpu.memory_space<hbm>>) target_semaphore(%arg14 : memref<!tpu.dma_semaphore, #tpu.memory_space<semaphore_mem>>)
    %dma_wait3A_225 = arith.constant 0 : i32
    %dma_wait3A_226 = tpu.memref_slice %arg4[%dma_wait3A_225] : memref<12800000xf32, #tpu.memory_space<hbm>> -> memref<25600xf32, #tpu.memory_space<hbm>>
    %dma_wait3A_227 = arith.constant 0 : i32
    %dma_wait3A_228 = tpu.memref_slice %arg4[%dma_wait3A_227] : memref<12800000xf32, #tpu.memory_space<hbm>> -> memref<25600xf32, #tpu.memory_space<hbm>>
    tpu.wait_dma2 semaphore(%arg17 : memref<!tpu.dma_semaphore, #tpu.memory_space<semaphore_mem>>) src(%arg9 : memref<25600xf32, #tpu.memory_space<vmem>>) dst(%dma_wait3A_228 : memref<25600xf32, #tpu.memory_space<hbm>>)
    %add3A_229 = arith.constant 224 : i32
    %add3A_230 = arith.addi %add3A, %add3A_229 : i32
    %lt3A_231 = arith.constant 500 : i32
    %lt3A_232 = arith.cmpi slt, %add3A_230, %lt3A_231 : i32
    %select_n3A_233 = arith.select %lt3A_232, %add3A_230, %add3A : i32
    %mul3A_234 = arith.constant 25600 : i32
    %mul3A_235 = arith.muli %select_n3A_233, %mul3A_234 : i32
    %dma_start3A_236 = tpu.memref_slice %arg2[%mul3A_235] : memref<12800000xf32, #tpu.memory_space<hbm>> -> memref<25600xf32, #tpu.memory_space<hbm>>
    %dma_start3A_237 = tpu.memref_slice %arg2[%mul3A_235] : memref<12800000xf32, #tpu.memory_space<hbm>> -> memref<25600xf32, #tpu.memory_space<hbm>>
    tpu.enqueue_dma source(%dma_start3A_237 : memref<25600xf32, #tpu.memory_space<hbm>>) target(%arg9 : memref<25600xf32, #tpu.memory_space<vmem>>) target_semaphore(%arg13 : memref<!tpu.dma_semaphore, #tpu.memory_space<semaphore_mem>>)
    %dma_wait3A_238 = arith.constant 0 : i32
    %dma_wait3A_239 = tpu.memref_slice %arg2[%dma_wait3A_238] : memref<12800000xf32, #tpu.memory_space<hbm>> -> memref<25600xf32, #tpu.memory_space<hbm>>
    %dma_wait3A_240 = arith.constant 0 : i32
    %dma_wait3A_241 = tpu.memref_slice %arg2[%dma_wait3A_240] : memref<12800000xf32, #tpu.memory_space<hbm>> -> memref<25600xf32, #tpu.memory_space<hbm>>
    tpu.wait_dma2 semaphore(%arg11 : memref<!tpu.dma_semaphore, #tpu.memory_space<semaphore_mem>>) src(%dma_wait3A_241 : memref<25600xf32, #tpu.memory_space<hbm>>) dst(%arg7 : memref<25600xf32, #tpu.memory_space<vmem>>)
    %get3A_242 = arith.constant 0 : i32
    %get3A_243 = arith.index_cast %get3A_242 : i32 to index
    %get3A_244 = arith.constant 0 : index
    %get3A_245 = tpu.vector_load %arg5[%get3A_243, %get3A_244] {strides = array<i32>} : memref<8x16xi32, #tpu.memory_space<vmem>>, vector<16xi32>,
    %get3A_246 = arith.constant 1 : i32
    %get3A_247 = arith.index_cast %get3A_246 : i32 to index
    %get3A_248 = arith.constant 0 : index
    %get3A_249 = tpu.vector_load %arg5[%get3A_247, %get3A_248] {strides = array<i32>} : memref<8x16xi32, #tpu.memory_space<vmem>>, vector<16xi32>,
    %get3A_250 = arith.constant 2 : i32
    %get3A_251 = arith.index_cast %get3A_250 : i32 to index
    %get3A_252 = arith.constant 0 : index
    %get3A_253 = tpu.vector_load %arg5[%get3A_251, %get3A_252] {strides = array<i32>} : memref<8x16xi32, #tpu.memory_space<vmem>>, vector<16xi32>,
    %scan3A_254 = arith.constant 0 : i32
    %scan3A_255 = arith.constant 0 : i32
    %scan3A_256 = arith.constant 200 : i32
    %scan3A_257 = arith.addi %scan3A_255, %scan3A_256 : i32
    %scan3A_258 = arith.constant 1 : i32
    scf.for %scan3A_699 = %scan3A_255 to %scan3A_257 step %scan3A_258  : i32 {
      %mul3A_700 = arith.constant 128 : i32
      %mul3A_701 = arith.muli %scan3A_699, %mul3A_700 : i32
      %add3A_702 = vector.broadcast %mul3A_701 : i32 to vector<16xi32>
      %add3A_703 = arith.addi %get3A_245, %add3A_702 : vector<16xi32>
      %gather3A = tpu.vector_load_idx %arg7[%add3A_703] : memref<25600xf32, #tpu.memory_space<vmem>>[vector<16xi32>], vector<16xf32>,
      %add3A_704 = vector.broadcast %mul3A_701 : i32 to vector<16xi32>
      %add3A_705 = arith.addi %get3A_249, %add3A_704 : vector<16xi32>
      %gather3A_706 = tpu.vector_load_idx %arg7[%add3A_705] : memref<25600xf32, #tpu.memory_space<vmem>>[vector<16xi32>], vector<16xf32>,
      %add3A_707 = vector.broadcast %mul3A_701 : i32 to vector<16xi32>
      %add3A_708 = arith.addi %get3A_253, %add3A_707 : vector<16xi32>
      %gather3A_709 = tpu.vector_load_idx %arg7[%add3A_708] : memref<25600xf32, #tpu.memory_space<vmem>>[vector<16xi32>], vector<16xf32>,
      %add3A_710 = arith.constant 0 : i32
      %add3A_711 = arith.addi %mul3A_701, %add3A_710 : i32
      %get3A_712 = arith.index_cast %add3A_711 : i32 to index
      %get3A_713 = tpu.vector_load %arg7[%get3A_712] {strides = array<i32>} : memref<25600xf32, #tpu.memory_space<vmem>>, vector<16xf32>,
      %sub3A = arith.subf %gather3A, %get3A_713 : vector<16xf32>
      %mul3A_714 = arith.constant 5.000000e-01 : f32
      %mul3A_715 = vector.broadcast %mul3A_714 : f32 to vector<16xf32>
      %mul3A_716 = arith.mulf %sub3A, %mul3A_715 : vector<16xf32>
      %add3A_717 = arith.addf %get3A_713, %mul3A_716 : vector<16xf32>
      %swap3A = arith.index_cast %add3A_711 : i32 to index
      %swap3A_718 = tpu.vector_load %arg7[%swap3A] {strides = array<i32>} : memref<25600xf32, #tpu.memory_space<vmem>>, vector<16xf32>,
      tpu.vector_store %arg7[%swap3A], %add3A_717 {strides = array<i32>} : memref<25600xf32, #tpu.memory_space<vmem>>, vector<16xf32>,
      %add3A_719 = arith.constant 16 : i32
      %add3A_720 = arith.addi %mul3A_701, %add3A_719 : i32
      %get3A_721 = arith.index_cast %add3A_720 : i32 to index
      %get3A_722 = tpu.vector_load %arg7[%get3A_721] {strides = array<i32>} : memref<25600xf32, #tpu.memory_space<vmem>>, vector<16xf32>,
      %sub3A_723 = arith.subf %gather3A_706, %get3A_722 : vector<16xf32>
      %mul3A_724 = arith.constant 5.000000e-01 : f32
      %mul3A_725 = vector.broadcast %mul3A_724 : f32 to vector<16xf32>
      %mul3A_726 = arith.mulf %sub3A_723, %mul3A_725 : vector<16xf32>
      %add3A_727 = arith.addf %get3A_722, %mul3A_726 : vector<16xf32>
      %swap3A_728 = arith.index_cast %add3A_720 : i32 to index
      %swap3A_729 = tpu.vector_load %arg7[%swap3A_728] {strides = array<i32>} : memref<25600xf32, #tpu.memory_space<vmem>>, vector<16xf32>,
      tpu.vector_store %arg7[%swap3A_728], %add3A_727 {strides = array<i32>} : memref<25600xf32, #tpu.memory_space<vmem>>, vector<16xf32>,
      %add3A_730 = arith.constant 32 : i32
      %add3A_731 = arith.addi %mul3A_701, %add3A_730 : i32
      %get3A_732 = arith.index_cast %add3A_731 : i32 to index
      %get3A_733 = tpu.vector_load %arg7[%get3A_732] {strides = array<i32>} : memref<25600xf32, #tpu.memory_space<vmem>>, vector<16xf32>,
      %sub3A_734 = arith.subf %gather3A_709, %get3A_733 : vector<16xf32>
      %mul3A_735 = arith.constant 5.000000e-01 : f32
      %mul3A_736 = vector.broadcast %mul3A_735 : f32 to vector<16xf32>
      %mul3A_737 = arith.mulf %sub3A_734, %mul3A_736 : vector<16xf32>
      %add3A_738 = arith.addf %get3A_733, %mul3A_737 : vector<16xf32>
      %swap3A_739 = arith.index_cast %add3A_731 : i32 to index
      %swap3A_740 = tpu.vector_load %arg7[%swap3A_739] {strides = array<i32>} : memref<25600xf32, #tpu.memory_space<vmem>>, vector<16xf32>,
      tpu.vector_store %arg7[%swap3A_739], %add3A_738 {strides = array<i32>} : memref<25600xf32, #tpu.memory_space<vmem>>, vector<16xf32>,
    }
    %scan3A_259 = arith.constant 200 : i32
    %add3A_260 = arith.constant 160 : i32
    %add3A_261 = arith.addi %add3A, %add3A_260 : i32
    %lt3A_262 = arith.constant 500 : i32
    %lt3A_263 = arith.cmpi slt, %add3A_261, %lt3A_262 : i32
    %select_n3A_264 = arith.select %lt3A_263, %add3A_261, %add3A : i32
    %mul3A_265 = arith.constant 25600 : i32
    %mul3A_266 = arith.muli %select_n3A_264, %mul3A_265 : i32
    %dma_start3A_267 = tpu.memref_slice %arg4[%mul3A_266] : memref<12800000xf32, #tpu.memory_space<hbm>> -> memref<25600xf32, #tpu.memory_space<hbm>>
    %dma_start3A_268 = tpu.memref_slice %arg4[%mul3A_266] : memref<12800000xf32, #tpu.memory_space<hbm>> -> memref<25600xf32, #tpu.memory_space<hbm>>
    tpu.enqueue_dma source(%arg7 : memref<25600xf32, #tpu.memory_space<vmem>>) target(%dma_start3A_268 : memref<25600xf32, #tpu.memory_space<hbm>>) target_semaphore(%arg15 : memref<!tpu.dma_semaphore, #tpu.memory_space<semaphore_mem>>)
    %dma_wait3A_269 = arith.constant 0 : i32
    %dma_wait3A_270 = tpu.memref_slice %arg4[%dma_wait3A_269] : memref<12800000xf32, #tpu.memory_space<hbm>> -> memref<25600xf32, #tpu.memory_space<hbm>>
    %dma_wait3A_271 = arith.constant 0 : i32
    %dma_wait3A_272 = tpu.memref_slice %arg4[%dma_wait3A_271] : memref<12800000xf32, #tpu.memory_space<hbm>> -> memref<25600xf32, #tpu.memory_space<hbm>>
    tpu.wait_dma2 semaphore(%arg14 : memref<!tpu.dma_semaphore, #tpu.memory_space<semaphore_mem>>) src(%arg6 : memref<25600xf32, #tpu.memory_space<vmem>>) dst(%dma_wait3A_272 : memref<25600xf32, #tpu.memory_space<hbm>>)
    %add3A_273 = arith.constant 256 : i32
    %add3A_274 = arith.addi %add3A, %add3A_273 : i32
    %lt3A_275 = arith.constant 500 : i32
    %lt3A_276 = arith.cmpi slt, %add3A_274, %lt3A_275 : i32
    %select_n3A_277 = arith.select %lt3A_276, %add3A_274, %add3A : i32
    %mul3A_278 = arith.constant 25600 : i32
    %mul3A_279 = arith.muli %select_n3A_277, %mul3A_278 : i32
    %dma_start3A_280 = tpu.memref_slice %arg2[%mul3A_279] : memref<12800000xf32, #tpu.memory_space<hbm>> -> memref<25600xf32, #tpu.memory_space<hbm>>
    %dma_start3A_281 = tpu.memref_slice %arg2[%mul3A_279] : memref<12800000xf32, #tpu.memory_space<hbm>> -> memref<25600xf32, #tpu.memory_space<hbm>>
    tpu.enqueue_dma source(%dma_start3A_281 : memref<25600xf32, #tpu.memory_space<hbm>>) target(%arg6 : memref<25600xf32, #tpu.memory_space<vmem>>) target_semaphore(%arg10 : memref<!tpu.dma_semaphore, #tpu.memory_space<semaphore_mem>>)
    %dma_wait3A_282 = arith.constant 0 : i32
    %dma_wait3A_283 = tpu.memref_slice %arg2[%dma_wait3A_282] : memref<12800000xf32, #tpu.memory_space<hbm>> -> memref<25600xf32, #tpu.memory_space<hbm>>
    %dma_wait3A_284 = arith.constant 0 : i32
    %dma_wait3A_285 = tpu.memref_slice %arg2[%dma_wait3A_284] : memref<12800000xf32, #tpu.memory_space<hbm>> -> memref<25600xf32, #tpu.memory_space<hbm>>
    tpu.wait_dma2 semaphore(%arg12 : memref<!tpu.dma_semaphore, #tpu.memory_space<semaphore_mem>>) src(%dma_wait3A_285 : memref<25600xf32, #tpu.memory_space<hbm>>) dst(%arg8 : memref<25600xf32, #tpu.memory_space<vmem>>)
    %get3A_286 = arith.constant 0 : i32
    %get3A_287 = arith.index_cast %get3A_286 : i32 to index
    %get3A_288 = arith.constant 0 : index
    %get3A_289 = tpu.vector_load %arg5[%get3A_287, %get3A_288] {strides = array<i32>} : memref<8x16xi32, #tpu.memory_space<vmem>>, vector<16xi32>,
    %get3A_290 = arith.constant 1 : i32
    %get3A_291 = arith.index_cast %get3A_290 : i32 to index
    %get3A_292 = arith.constant 0 : index
    %get3A_293 = tpu.vector_load %arg5[%get3A_291, %get3A_292] {strides = array<i32>} : memref<8x16xi32, #tpu.memory_space<vmem>>, vector<16xi32>,
    %get3A_294 = arith.constant 2 : i32
    %get3A_295 = arith.index_cast %get3A_294 : i32 to index
    %get3A_296 = arith.constant 0 : index
    %get3A_297 = tpu.vector_load %arg5[%get3A_295, %get3A_296] {strides = array<i32>} : memref<8x16xi32, #tpu.memory_space<vmem>>, vector<16xi32>,
    %scan3A_298 = arith.constant 0 : i32
    %scan3A_299 = arith.constant 0 : i32
    %scan3A_300 = arith.constant 200 : i32
    %scan3A_301 = arith.addi %scan3A_299, %scan3A_300 : i32
    %scan3A_302 = arith.constant 1 : i32
    scf.for %scan3A_699 = %scan3A_299 to %scan3A_301 step %scan3A_302  : i32 {
      %mul3A_700 = arith.constant 128 : i32
      %mul3A_701 = arith.muli %scan3A_699, %mul3A_700 : i32
      %add3A_702 = vector.broadcast %mul3A_701 : i32 to vector<16xi32>
      %add3A_703 = arith.addi %get3A_289, %add3A_702 : vector<16xi32>
      %gather3A = tpu.vector_load_idx %arg8[%add3A_703] : memref<25600xf32, #tpu.memory_space<vmem>>[vector<16xi32>], vector<16xf32>,
      %add3A_704 = vector.broadcast %mul3A_701 : i32 to vector<16xi32>
      %add3A_705 = arith.addi %get3A_293, %add3A_704 : vector<16xi32>
      %gather3A_706 = tpu.vector_load_idx %arg8[%add3A_705] : memref<25600xf32, #tpu.memory_space<vmem>>[vector<16xi32>], vector<16xf32>,
      %add3A_707 = vector.broadcast %mul3A_701 : i32 to vector<16xi32>
      %add3A_708 = arith.addi %get3A_297, %add3A_707 : vector<16xi32>
      %gather3A_709 = tpu.vector_load_idx %arg8[%add3A_708] : memref<25600xf32, #tpu.memory_space<vmem>>[vector<16xi32>], vector<16xf32>,
      %add3A_710 = arith.constant 0 : i32
      %add3A_711 = arith.addi %mul3A_701, %add3A_710 : i32
      %get3A_712 = arith.index_cast %add3A_711 : i32 to index
      %get3A_713 = tpu.vector_load %arg8[%get3A_712] {strides = array<i32>} : memref<25600xf32, #tpu.memory_space<vmem>>, vector<16xf32>,
      %sub3A = arith.subf %gather3A, %get3A_713 : vector<16xf32>
      %mul3A_714 = arith.constant 5.000000e-01 : f32
      %mul3A_715 = vector.broadcast %mul3A_714 : f32 to vector<16xf32>
      %mul3A_716 = arith.mulf %sub3A, %mul3A_715 : vector<16xf32>
      %add3A_717 = arith.addf %get3A_713, %mul3A_716 : vector<16xf32>
      %swap3A = arith.index_cast %add3A_711 : i32 to index
      %swap3A_718 = tpu.vector_load %arg8[%swap3A] {strides = array<i32>} : memref<25600xf32, #tpu.memory_space<vmem>>, vector<16xf32>,
      tpu.vector_store %arg8[%swap3A], %add3A_717 {strides = array<i32>} : memref<25600xf32, #tpu.memory_space<vmem>>, vector<16xf32>,
      %add3A_719 = arith.constant 16 : i32
      %add3A_720 = arith.addi %mul3A_701, %add3A_719 : i32
      %get3A_721 = arith.index_cast %add3A_720 : i32 to index
      %get3A_722 = tpu.vector_load %arg8[%get3A_721] {strides = array<i32>} : memref<25600xf32, #tpu.memory_space<vmem>>, vector<16xf32>,
      %sub3A_723 = arith.subf %gather3A_706, %get3A_722 : vector<16xf32>
      %mul3A_724 = arith.constant 5.000000e-01 : f32
      %mul3A_725 = vector.broadcast %mul3A_724 : f32 to vector<16xf32>
      %mul3A_726 = arith.mulf %sub3A_723, %mul3A_725 : vector<16xf32>
      %add3A_727 = arith.addf %get3A_722, %mul3A_726 : vector<16xf32>
      %swap3A_728 = arith.index_cast %add3A_720 : i32 to index
      %swap3A_729 = tpu.vector_load %arg8[%swap3A_728] {strides = array<i32>} : memref<25600xf32, #tpu.memory_space<vmem>>, vector<16xf32>,
      tpu.vector_store %arg8[%swap3A_728], %add3A_727 {strides = array<i32>} : memref<25600xf32, #tpu.memory_space<vmem>>, vector<16xf32>,
      %add3A_730 = arith.constant 32 : i32
      %add3A_731 = arith.addi %mul3A_701, %add3A_730 : i32
      %get3A_732 = arith.index_cast %add3A_731 : i32 to index
      %get3A_733 = tpu.vector_load %arg8[%get3A_732] {strides = array<i32>} : memref<25600xf32, #tpu.memory_space<vmem>>, vector<16xf32>,
      %sub3A_734 = arith.subf %gather3A_709, %get3A_733 : vector<16xf32>
      %mul3A_735 = arith.constant 5.000000e-01 : f32
      %mul3A_736 = vector.broadcast %mul3A_735 : f32 to vector<16xf32>
      %mul3A_737 = arith.mulf %sub3A_734, %mul3A_736 : vector<16xf32>
      %add3A_738 = arith.addf %get3A_733, %mul3A_737 : vector<16xf32>
      %swap3A_739 = arith.index_cast %add3A_731 : i32 to index
      %swap3A_740 = tpu.vector_load %arg8[%swap3A_739] {strides = array<i32>} : memref<25600xf32, #tpu.memory_space<vmem>>, vector<16xf32>,
      tpu.vector_store %arg8[%swap3A_739], %add3A_738 {strides = array<i32>} : memref<25600xf32, #tpu.memory_space<vmem>>, vector<16xf32>,
    }
    %scan3A_303 = arith.constant 200 : i32
    %add3A_304 = arith.constant 192 : i32
    %add3A_305 = arith.addi %add3A, %add3A_304 : i32
    %lt3A_306 = arith.constant 500 : i32
    %lt3A_307 = arith.cmpi slt, %add3A_305, %lt3A_306 : i32
    %select_n3A_308 = arith.select %lt3A_307, %add3A_305, %add3A : i32
    %mul3A_309 = arith.constant 25600 : i32
    %mul3A_310 = arith.muli %select_n3A_308, %mul3A_309 : i32
    %dma_start3A_311 = tpu.memref_slice %arg4[%mul3A_310] : memref<12800000xf32, #tpu.memory_space<hbm>> -> memref<25600xf32, #tpu.memory_space<hbm>>
    %dma_start3A_312 = tpu.memref_slice %arg4[%mul3A_310] : memref<12800000xf32, #tpu.memory_space<hbm>> -> memref<25600xf32, #tpu.memory_space<hbm>>
    tpu.enqueue_dma source(%arg8 : memref<25600xf32, #tpu.memory_space<vmem>>) target(%dma_start3A_312 : memref<25600xf32, #tpu.memory_space<hbm>>) target_semaphore(%arg16 : memref<!tpu.dma_semaphore, #tpu.memory_space<semaphore_mem>>)
    %dma_wait3A_313 = arith.constant 0 : i32
    %dma_wait3A_314 = tpu.memref_slice %arg4[%dma_wait3A_313] : memref<12800000xf32, #tpu.memory_space<hbm>> -> memref<25600xf32, #tpu.memory_space<hbm>>
    %dma_wait3A_315 = arith.constant 0 : i32
    %dma_wait3A_316 = tpu.memref_slice %arg4[%dma_wait3A_315] : memref<12800000xf32, #tpu.memory_space<hbm>> -> memref<25600xf32, #tpu.memory_space<hbm>>
    tpu.wait_dma2 semaphore(%arg15 : memref<!tpu.dma_semaphore, #tpu.memory_space<semaphore_mem>>) src(%arg7 : memref<25600xf32, #tpu.memory_space<vmem>>) dst(%dma_wait3A_316 : memref<25600xf32, #tpu.memory_space<hbm>>)
    %add3A_317 = arith.constant 288 : i32
    %add3A_318 = arith.addi %add3A, %add3A_317 : i32
    %lt3A_319 = arith.constant 500 : i32
    %lt3A_320 = arith.cmpi slt, %add3A_318, %lt3A_319 : i32
    %select_n3A_321 = arith.select %lt3A_320, %add3A_318, %add3A : i32
    %mul3A_322 = arith.constant 25600 : i32
    %mul3A_323 = arith.muli %select_n3A_321, %mul3A_322 : i32
    %dma_start3A_324 = tpu.memref_slice %arg2[%mul3A_323] : memref<12800000xf32, #tpu.memory_space<hbm>> -> memref<25600xf32, #tpu.memory_space<hbm>>
    %dma_start3A_325 = tpu.memref_slice %arg2[%mul3A_323] : memref<12800000xf32, #tpu.memory_space<hbm>> -> memref<25600xf32, #tpu.memory_space<hbm>>
    tpu.enqueue_dma source(%dma_start3A_325 : memref<25600xf32, #tpu.memory_space<hbm>>) target(%arg7 : memref<25600xf32, #tpu.memory_space<vmem>>) target_semaphore(%arg11 : memref<!tpu.dma_semaphore, #tpu.memory_space<semaphore_mem>>)
    %dma_wait3A_326 = arith.constant 0 : i32
    %dma_wait3A_327 = tpu.memref_slice %arg2[%dma_wait3A_326] : memref<12800000xf32, #tpu.memory_space<hbm>> -> memref<25600xf32, #tpu.memory_space<hbm>>
    %dma_wait3A_328 = arith.constant 0 : i32
    %dma_wait3A_329 = tpu.memref_slice %arg2[%dma_wait3A_328] : memref<12800000xf32, #tpu.memory_space<hbm>> -> memref<25600xf32, #tpu.memory_space<hbm>>
    tpu.wait_dma2 semaphore(%arg13 : memref<!tpu.dma_semaphore, #tpu.memory_space<semaphore_mem>>) src(%dma_wait3A_329 : memref<25600xf32, #tpu.memory_space<hbm>>) dst(%arg9 : memref<25600xf32, #tpu.memory_space<vmem>>)
    %get3A_330 = arith.constant 0 : i32
    %get3A_331 = arith.index_cast %get3A_330 : i32 to index
    %get3A_332 = arith.constant 0 : index
    %get3A_333 = tpu.vector_load %arg5[%get3A_331, %get3A_332] {strides = array<i32>} : memref<8x16xi32, #tpu.memory_space<vmem>>, vector<16xi32>,
    %get3A_334 = arith.constant 1 : i32
    %get3A_335 = arith.index_cast %get3A_334 : i32 to index
    %get3A_336 = arith.constant 0 : index
    %get3A_337 = tpu.vector_load %arg5[%get3A_335, %get3A_336] {strides = array<i32>} : memref<8x16xi32, #tpu.memory_space<vmem>>, vector<16xi32>,
    %get3A_338 = arith.constant 2 : i32
    %get3A_339 = arith.index_cast %get3A_338 : i32 to index
    %get3A_340 = arith.constant 0 : index
    %get3A_341 = tpu.vector_load %arg5[%get3A_339, %get3A_340] {strides = array<i32>} : memref<8x16xi32, #tpu.memory_space<vmem>>, vector<16xi32>,
    %scan3A_342 = arith.constant 0 : i32
    %scan3A_343 = arith.constant 0 : i32
    %scan3A_344 = arith.constant 200 : i32
    %scan3A_345 = arith.addi %scan3A_343, %scan3A_344 : i32
    %scan3A_346 = arith.constant 1 : i32
    scf.for %scan3A_699 = %scan3A_343 to %scan3A_345 step %scan3A_346  : i32 {
      %mul3A_700 = arith.constant 128 : i32
      %mul3A_701 = arith.muli %scan3A_699, %mul3A_700 : i32
      %add3A_702 = vector.broadcast %mul3A_701 : i32 to vector<16xi32>
      %add3A_703 = arith.addi %get3A_333, %add3A_702 : vector<16xi32>
      %gather3A = tpu.vector_load_idx %arg9[%add3A_703] : memref<25600xf32, #tpu.memory_space<vmem>>[vector<16xi32>], vector<16xf32>,
      %add3A_704 = vector.broadcast %mul3A_701 : i32 to vector<16xi32>
      %add3A_705 = arith.addi %get3A_337, %add3A_704 : vector<16xi32>
      %gather3A_706 = tpu.vector_load_idx %arg9[%add3A_705] : memref<25600xf32, #tpu.memory_space<vmem>>[vector<16xi32>], vector<16xf32>,
      %add3A_707 = vector.broadcast %mul3A_701 : i32 to vector<16xi32>
      %add3A_708 = arith.addi %get3A_341, %add3A_707 : vector<16xi32>
      %gather3A_709 = tpu.vector_load_idx %arg9[%add3A_708] : memref<25600xf32, #tpu.memory_space<vmem>>[vector<16xi32>], vector<16xf32>,
      %add3A_710 = arith.constant 0 : i32
      %add3A_711 = arith.addi %mul3A_701, %add3A_710 : i32
      %get3A_712 = arith.index_cast %add3A_711 : i32 to index
      %get3A_713 = tpu.vector_load %arg9[%get3A_712] {strides = array<i32>} : memref<25600xf32, #tpu.memory_space<vmem>>, vector<16xf32>,
      %sub3A = arith.subf %gather3A, %get3A_713 : vector<16xf32>
      %mul3A_714 = arith.constant 5.000000e-01 : f32
      %mul3A_715 = vector.broadcast %mul3A_714 : f32 to vector<16xf32>
      %mul3A_716 = arith.mulf %sub3A, %mul3A_715 : vector<16xf32>
      %add3A_717 = arith.addf %get3A_713, %mul3A_716 : vector<16xf32>
      %swap3A = arith.index_cast %add3A_711 : i32 to index
      %swap3A_718 = tpu.vector_load %arg9[%swap3A] {strides = array<i32>} : memref<25600xf32, #tpu.memory_space<vmem>>, vector<16xf32>,
      tpu.vector_store %arg9[%swap3A], %add3A_717 {strides = array<i32>} : memref<25600xf32, #tpu.memory_space<vmem>>, vector<16xf32>,
      %add3A_719 = arith.constant 16 : i32
      %add3A_720 = arith.addi %mul3A_701, %add3A_719 : i32
      %get3A_721 = arith.index_cast %add3A_720 : i32 to index
      %get3A_722 = tpu.vector_load %arg9[%get3A_721] {strides = array<i32>} : memref<25600xf32, #tpu.memory_space<vmem>>, vector<16xf32>,
      %sub3A_723 = arith.subf %gather3A_706, %get3A_722 : vector<16xf32>
      %mul3A_724 = arith.constant 5.000000e-01 : f32
      %mul3A_725 = vector.broadcast %mul3A_724 : f32 to vector<16xf32>
      %mul3A_726 = arith.mulf %sub3A_723, %mul3A_725 : vector<16xf32>
      %add3A_727 = arith.addf %get3A_722, %mul3A_726 : vector<16xf32>
      %swap3A_728 = arith.index_cast %add3A_720 : i32 to index
      %swap3A_729 = tpu.vector_load %arg9[%swap3A_728] {strides = array<i32>} : memref<25600xf32, #tpu.memory_space<vmem>>, vector<16xf32>,
      tpu.vector_store %arg9[%swap3A_728], %add3A_727 {strides = array<i32>} : memref<25600xf32, #tpu.memory_space<vmem>>, vector<16xf32>,
      %add3A_730 = arith.constant 32 : i32
      %add3A_731 = arith.addi %mul3A_701, %add3A_730 : i32
      %get3A_732 = arith.index_cast %add3A_731 : i32 to index
      %get3A_733 = tpu.vector_load %arg9[%get3A_732] {strides = array<i32>} : memref<25600xf32, #tpu.memory_space<vmem>>, vector<16xf32>,
      %sub3A_734 = arith.subf %gather3A_709, %get3A_733 : vector<16xf32>
      %mul3A_735 = arith.constant 5.000000e-01 : f32
      %mul3A_736 = vector.broadcast %mul3A_735 : f32 to vector<16xf32>
      %mul3A_737 = arith.mulf %sub3A_734, %mul3A_736 : vector<16xf32>
      %add3A_738 = arith.addf %get3A_733, %mul3A_737 : vector<16xf32>
      %swap3A_739 = arith.index_cast %add3A_731 : i32 to index
      %swap3A_740 = tpu.vector_load %arg9[%swap3A_739] {strides = array<i32>} : memref<25600xf32, #tpu.memory_space<vmem>>, vector<16xf32>,
      tpu.vector_store %arg9[%swap3A_739], %add3A_738 {strides = array<i32>} : memref<25600xf32, #tpu.memory_space<vmem>>, vector<16xf32>,
    }
    %scan3A_347 = arith.constant 200 : i32
    %add3A_348 = arith.constant 224 : i32
    %add3A_349 = arith.addi %add3A, %add3A_348 : i32
    %lt3A_350 = arith.constant 500 : i32
    %lt3A_351 = arith.cmpi slt, %add3A_349, %lt3A_350 : i32
    %select_n3A_352 = arith.select %lt3A_351, %add3A_349, %add3A : i32
    %mul3A_353 = arith.constant 25600 : i32
    %mul3A_354 = arith.muli %select_n3A_352, %mul3A_353 : i32
    %dma_start3A_355 = tpu.memref_slice %arg4[%mul3A_354] : memref<12800000xf32, #tpu.memory_space<hbm>> -> memref<25600xf32, #tpu.memory_space<hbm>>
    %dma_start3A_356 = tpu.memref_slice %arg4[%mul3A_354] : memref<12800000xf32, #tpu.memory_space<hbm>> -> memref<25600xf32, #tpu.memory_space<hbm>>
    tpu.enqueue_dma source(%arg9 : memref<25600xf32, #tpu.memory_space<vmem>>) target(%dma_start3A_356 : memref<25600xf32, #tpu.memory_space<hbm>>) target_semaphore(%arg17 : memref<!tpu.dma_semaphore, #tpu.memory_space<semaphore_mem>>)
    %dma_wait3A_357 = arith.constant 0 : i32
    %dma_wait3A_358 = tpu.memref_slice %arg4[%dma_wait3A_357] : memref<12800000xf32, #tpu.memory_space<hbm>> -> memref<25600xf32, #tpu.memory_space<hbm>>
    %dma_wait3A_359 = arith.constant 0 : i32
    %dma_wait3A_360 = tpu.memref_slice %arg4[%dma_wait3A_359] : memref<12800000xf32, #tpu.memory_space<hbm>> -> memref<25600xf32, #tpu.memory_space<hbm>>
    tpu.wait_dma2 semaphore(%arg16 : memref<!tpu.dma_semaphore, #tpu.memory_space<semaphore_mem>>) src(%arg8 : memref<25600xf32, #tpu.memory_space<vmem>>) dst(%dma_wait3A_360 : memref<25600xf32, #tpu.memory_space<hbm>>)
    %add3A_361 = arith.constant 320 : i32
    %add3A_362 = arith.addi %add3A, %add3A_361 : i32
    %lt3A_363 = arith.constant 500 : i32
    %lt3A_364 = arith.cmpi slt, %add3A_362, %lt3A_363 : i32
    %select_n3A_365 = arith.select %lt3A_364, %add3A_362, %add3A : i32
    %mul3A_366 = arith.constant 25600 : i32
    %mul3A_367 = arith.muli %select_n3A_365, %mul3A_366 : i32
    %dma_start3A_368 = tpu.memref_slice %arg2[%mul3A_367] : memref<12800000xf32, #tpu.memory_space<hbm>> -> memref<25600xf32, #tpu.memory_space<hbm>>
    %dma_start3A_369 = tpu.memref_slice %arg2[%mul3A_367] : memref<12800000xf32, #tpu.memory_space<hbm>> -> memref<25600xf32, #tpu.memory_space<hbm>>
    tpu.enqueue_dma source(%dma_start3A_369 : memref<25600xf32, #tpu.memory_space<hbm>>) target(%arg8 : memref<25600xf32, #tpu.memory_space<vmem>>) target_semaphore(%arg12 : memref<!tpu.dma_semaphore, #tpu.memory_space<semaphore_mem>>)
    %dma_wait3A_370 = arith.constant 0 : i32
    %dma_wait3A_371 = tpu.memref_slice %arg2[%dma_wait3A_370] : memref<12800000xf32, #tpu.memory_space<hbm>> -> memref<25600xf32, #tpu.memory_space<hbm>>
    %dma_wait3A_372 = arith.constant 0 : i32
    %dma_wait3A_373 = tpu.memref_slice %arg2[%dma_wait3A_372] : memref<12800000xf32, #tpu.memory_space<hbm>> -> memref<25600xf32, #tpu.memory_space<hbm>>
    tpu.wait_dma2 semaphore(%arg10 : memref<!tpu.dma_semaphore, #tpu.memory_space<semaphore_mem>>) src(%dma_wait3A_373 : memref<25600xf32, #tpu.memory_space<hbm>>) dst(%arg6 : memref<25600xf32, #tpu.memory_space<vmem>>)
    %get3A_374 = arith.constant 0 : i32
    %get3A_375 = arith.index_cast %get3A_374 : i32 to index
    %get3A_376 = arith.constant 0 : index
    %get3A_377 = tpu.vector_load %arg5[%get3A_375, %get3A_376] {strides = array<i32>} : memref<8x16xi32, #tpu.memory_space<vmem>>, vector<16xi32>,
    %get3A_378 = arith.constant 1 : i32
    %get3A_379 = arith.index_cast %get3A_378 : i32 to index
    %get3A_380 = arith.constant 0 : index
    %get3A_381 = tpu.vector_load %arg5[%get3A_379, %get3A_380] {strides = array<i32>} : memref<8x16xi32, #tpu.memory_space<vmem>>, vector<16xi32>,
    %get3A_382 = arith.constant 2 : i32
    %get3A_383 = arith.index_cast %get3A_382 : i32 to index
    %get3A_384 = arith.constant 0 : index
    %get3A_385 = tpu.vector_load %arg5[%get3A_383, %get3A_384] {strides = array<i32>} : memref<8x16xi32, #tpu.memory_space<vmem>>, vector<16xi32>,
    %scan3A_386 = arith.constant 0 : i32
    %scan3A_387 = arith.constant 0 : i32
    %scan3A_388 = arith.constant 200 : i32
    %scan3A_389 = arith.addi %scan3A_387, %scan3A_388 : i32
    %scan3A_390 = arith.constant 1 : i32
    scf.for %scan3A_699 = %scan3A_387 to %scan3A_389 step %scan3A_390  : i32 {
      %mul3A_700 = arith.constant 128 : i32
      %mul3A_701 = arith.muli %scan3A_699, %mul3A_700 : i32
      %add3A_702 = vector.broadcast %mul3A_701 : i32 to vector<16xi32>
      %add3A_703 = arith.addi %get3A_377, %add3A_702 : vector<16xi32>
      %gather3A = tpu.vector_load_idx %arg6[%add3A_703] : memref<25600xf32, #tpu.memory_space<vmem>>[vector<16xi32>], vector<16xf32>,
      %add3A_704 = vector.broadcast %mul3A_701 : i32 to vector<16xi32>
      %add3A_705 = arith.addi %get3A_381, %add3A_704 : vector<16xi32>
      %gather3A_706 = tpu.vector_load_idx %arg6[%add3A_705] : memref<25600xf32, #tpu.memory_space<vmem>>[vector<16xi32>], vector<16xf32>,
      %add3A_707 = vector.broadcast %mul3A_701 : i32 to vector<16xi32>
      %add3A_708 = arith.addi %get3A_385, %add3A_707 : vector<16xi32>
      %gather3A_709 = tpu.vector_load_idx %arg6[%add3A_708] : memref<25600xf32, #tpu.memory_space<vmem>>[vector<16xi32>], vector<16xf32>,
      %add3A_710 = arith.constant 0 : i32
      %add3A_711 = arith.addi %mul3A_701, %add3A_710 : i32
      %get3A_712 = arith.index_cast %add3A_711 : i32 to index
      %get3A_713 = tpu.vector_load %arg6[%get3A_712] {strides = array<i32>} : memref<25600xf32, #tpu.memory_space<vmem>>, vector<16xf32>,
      %sub3A = arith.subf %gather3A, %get3A_713 : vector<16xf32>
      %mul3A_714 = arith.constant 5.000000e-01 : f32
      %mul3A_715 = vector.broadcast %mul3A_714 : f32 to vector<16xf32>
      %mul3A_716 = arith.mulf %sub3A, %mul3A_715 : vector<16xf32>
      %add3A_717 = arith.addf %get3A_713, %mul3A_716 : vector<16xf32>
      %swap3A = arith.index_cast %add3A_711 : i32 to index
      %swap3A_718 = tpu.vector_load %arg6[%swap3A] {strides = array<i32>} : memref<25600xf32, #tpu.memory_space<vmem>>, vector<16xf32>,
      tpu.vector_store %arg6[%swap3A], %add3A_717 {strides = array<i32>} : memref<25600xf32, #tpu.memory_space<vmem>>, vector<16xf32>,
      %add3A_719 = arith.constant 16 : i32
      %add3A_720 = arith.addi %mul3A_701, %add3A_719 : i32
      %get3A_721 = arith.index_cast %add3A_720 : i32 to index
      %get3A_722 = tpu.vector_load %arg6[%get3A_721] {strides = array<i32>} : memref<25600xf32, #tpu.memory_space<vmem>>, vector<16xf32>,
      %sub3A_723 = arith.subf %gather3A_706, %get3A_722 : vector<16xf32>
      %mul3A_724 = arith.constant 5.000000e-01 : f32
      %mul3A_725 = vector.broadcast %mul3A_724 : f32 to vector<16xf32>
      %mul3A_726 = arith.mulf %sub3A_723, %mul3A_725 : vector<16xf32>
      %add3A_727 = arith.addf %get3A_722, %mul3A_726 : vector<16xf32>
      %swap3A_728 = arith.index_cast %add3A_720 : i32 to index
      %swap3A_729 = tpu.vector_load %arg6[%swap3A_728] {strides = array<i32>} : memref<25600xf32, #tpu.memory_space<vmem>>, vector<16xf32>,
      tpu.vector_store %arg6[%swap3A_728], %add3A_727 {strides = array<i32>} : memref<25600xf32, #tpu.memory_space<vmem>>, vector<16xf32>,
      %add3A_730 = arith.constant 32 : i32
      %add3A_731 = arith.addi %mul3A_701, %add3A_730 : i32
      %get3A_732 = arith.index_cast %add3A_731 : i32 to index
      %get3A_733 = tpu.vector_load %arg6[%get3A_732] {strides = array<i32>} : memref<25600xf32, #tpu.memory_space<vmem>>, vector<16xf32>,
      %sub3A_734 = arith.subf %gather3A_709, %get3A_733 : vector<16xf32>
      %mul3A_735 = arith.constant 5.000000e-01 : f32
      %mul3A_736 = vector.broadcast %mul3A_735 : f32 to vector<16xf32>
      %mul3A_737 = arith.mulf %sub3A_734, %mul3A_736 : vector<16xf32>
      %add3A_738 = arith.addf %get3A_733, %mul3A_737 : vector<16xf32>
      %swap3A_739 = arith.index_cast %add3A_731 : i32 to index
      %swap3A_740 = tpu.vector_load %arg6[%swap3A_739] {strides = array<i32>} : memref<25600xf32, #tpu.memory_space<vmem>>, vector<16xf32>,
      tpu.vector_store %arg6[%swap3A_739], %add3A_738 {strides = array<i32>} : memref<25600xf32, #tpu.memory_space<vmem>>, vector<16xf32>,
    }
    %scan3A_391 = arith.constant 200 : i32
    %add3A_392 = arith.constant 256 : i32
    %add3A_393 = arith.addi %add3A, %add3A_392 : i32
    %lt3A_394 = arith.constant 500 : i32
    %lt3A_395 = arith.cmpi slt, %add3A_393, %lt3A_394 : i32
    %select_n3A_396 = arith.select %lt3A_395, %add3A_393, %add3A : i32
    %mul3A_397 = arith.constant 25600 : i32
    %mul3A_398 = arith.muli %select_n3A_396, %mul3A_397 : i32
    %dma_start3A_399 = tpu.memref_slice %arg4[%mul3A_398] : memref<12800000xf32, #tpu.memory_space<hbm>> -> memref<25600xf32, #tpu.memory_space<hbm>>
    %dma_start3A_400 = tpu.memref_slice %arg4[%mul3A_398] : memref<12800000xf32, #tpu.memory_space<hbm>> -> memref<25600xf32, #tpu.memory_space<hbm>>
    tpu.enqueue_dma source(%arg6 : memref<25600xf32, #tpu.memory_space<vmem>>) target(%dma_start3A_400 : memref<25600xf32, #tpu.memory_space<hbm>>) target_semaphore(%arg14 : memref<!tpu.dma_semaphore, #tpu.memory_space<semaphore_mem>>)
    %dma_wait3A_401 = arith.constant 0 : i32
    %dma_wait3A_402 = tpu.memref_slice %arg4[%dma_wait3A_401] : memref<12800000xf32, #tpu.memory_space<hbm>> -> memref<25600xf32, #tpu.memory_space<hbm>>
    %dma_wait3A_403 = arith.constant 0 : i32
    %dma_wait3A_404 = tpu.memref_slice %arg4[%dma_wait3A_403] : memref<12800000xf32, #tpu.memory_space<hbm>> -> memref<25600xf32, #tpu.memory_space<hbm>>
    tpu.wait_dma2 semaphore(%arg17 : memref<!tpu.dma_semaphore, #tpu.memory_space<semaphore_mem>>) src(%arg9 : memref<25600xf32, #tpu.memory_space<vmem>>) dst(%dma_wait3A_404 : memref<25600xf32, #tpu.memory_space<hbm>>)
    %add3A_405 = arith.constant 352 : i32
    %add3A_406 = arith.addi %add3A, %add3A_405 : i32
    %lt3A_407 = arith.constant 500 : i32
    %lt3A_408 = arith.cmpi slt, %add3A_406, %lt3A_407 : i32
    %select_n3A_409 = arith.select %lt3A_408, %add3A_406, %add3A : i32
    %mul3A_410 = arith.constant 25600 : i32
    %mul3A_411 = arith.muli %select_n3A_409, %mul3A_410 : i32
    %dma_start3A_412 = tpu.memref_slice %arg2[%mul3A_411] : memref<12800000xf32, #tpu.memory_space<hbm>> -> memref<25600xf32, #tpu.memory_space<hbm>>
    %dma_start3A_413 = tpu.memref_slice %arg2[%mul3A_411] : memref<12800000xf32, #tpu.memory_space<hbm>> -> memref<25600xf32, #tpu.memory_space<hbm>>
    tpu.enqueue_dma source(%dma_start3A_413 : memref<25600xf32, #tpu.memory_space<hbm>>) target(%arg9 : memref<25600xf32, #tpu.memory_space<vmem>>) target_semaphore(%arg13 : memref<!tpu.dma_semaphore, #tpu.memory_space<semaphore_mem>>)
    %dma_wait3A_414 = arith.constant 0 : i32
    %dma_wait3A_415 = tpu.memref_slice %arg2[%dma_wait3A_414] : memref<12800000xf32, #tpu.memory_space<hbm>> -> memref<25600xf32, #tpu.memory_space<hbm>>
    %dma_wait3A_416 = arith.constant 0 : i32
    %dma_wait3A_417 = tpu.memref_slice %arg2[%dma_wait3A_416] : memref<12800000xf32, #tpu.memory_space<hbm>> -> memref<25600xf32, #tpu.memory_space<hbm>>
    tpu.wait_dma2 semaphore(%arg11 : memref<!tpu.dma_semaphore, #tpu.memory_space<semaphore_mem>>) src(%dma_wait3A_417 : memref<25600xf32, #tpu.memory_space<hbm>>) dst(%arg7 : memref<25600xf32, #tpu.memory_space<vmem>>)
    %get3A_418 = arith.constant 0 : i32
    %get3A_419 = arith.index_cast %get3A_418 : i32 to index
    %get3A_420 = arith.constant 0 : index
    %get3A_421 = tpu.vector_load %arg5[%get3A_419, %get3A_420] {strides = array<i32>} : memref<8x16xi32, #tpu.memory_space<vmem>>, vector<16xi32>,
    %get3A_422 = arith.constant 1 : i32
    %get3A_423 = arith.index_cast %get3A_422 : i32 to index
    %get3A_424 = arith.constant 0 : index
    %get3A_425 = tpu.vector_load %arg5[%get3A_423, %get3A_424] {strides = array<i32>} : memref<8x16xi32, #tpu.memory_space<vmem>>, vector<16xi32>,
    %get3A_426 = arith.constant 2 : i32
    %get3A_427 = arith.index_cast %get3A_426 : i32 to index
    %get3A_428 = arith.constant 0 : index
    %get3A_429 = tpu.vector_load %arg5[%get3A_427, %get3A_428] {strides = array<i32>} : memref<8x16xi32, #tpu.memory_space<vmem>>, vector<16xi32>,
    %scan3A_430 = arith.constant 0 : i32
    %scan3A_431 = arith.constant 0 : i32
    %scan3A_432 = arith.constant 200 : i32
    %scan3A_433 = arith.addi %scan3A_431, %scan3A_432 : i32
    %scan3A_434 = arith.constant 1 : i32
    scf.for %scan3A_699 = %scan3A_431 to %scan3A_433 step %scan3A_434  : i32 {
      %mul3A_700 = arith.constant 128 : i32
      %mul3A_701 = arith.muli %scan3A_699, %mul3A_700 : i32
      %add3A_702 = vector.broadcast %mul3A_701 : i32 to vector<16xi32>
      %add3A_703 = arith.addi %get3A_421, %add3A_702 : vector<16xi32>
      %gather3A = tpu.vector_load_idx %arg7[%add3A_703] : memref<25600xf32, #tpu.memory_space<vmem>>[vector<16xi32>], vector<16xf32>,
      %add3A_704 = vector.broadcast %mul3A_701 : i32 to vector<16xi32>
      %add3A_705 = arith.addi %get3A_425, %add3A_704 : vector<16xi32>
      %gather3A_706 = tpu.vector_load_idx %arg7[%add3A_705] : memref<25600xf32, #tpu.memory_space<vmem>>[vector<16xi32>], vector<16xf32>,
      %add3A_707 = vector.broadcast %mul3A_701 : i32 to vector<16xi32>
      %add3A_708 = arith.addi %get3A_429, %add3A_707 : vector<16xi32>
      %gather3A_709 = tpu.vector_load_idx %arg7[%add3A_708] : memref<25600xf32, #tpu.memory_space<vmem>>[vector<16xi32>], vector<16xf32>,
      %add3A_710 = arith.constant 0 : i32
      %add3A_711 = arith.addi %mul3A_701, %add3A_710 : i32
      %get3A_712 = arith.index_cast %add3A_711 : i32 to index
      %get3A_713 = tpu.vector_load %arg7[%get3A_712] {strides = array<i32>} : memref<25600xf32, #tpu.memory_space<vmem>>, vector<16xf32>,
      %sub3A = arith.subf %gather3A, %get3A_713 : vector<16xf32>
      %mul3A_714 = arith.constant 5.000000e-01 : f32
      %mul3A_715 = vector.broadcast %mul3A_714 : f32 to vector<16xf32>
      %mul3A_716 = arith.mulf %sub3A, %mul3A_715 : vector<16xf32>
      %add3A_717 = arith.addf %get3A_713, %mul3A_716 : vector<16xf32>
      %swap3A = arith.index_cast %add3A_711 : i32 to index
      %swap3A_718 = tpu.vector_load %arg7[%swap3A] {strides = array<i32>} : memref<25600xf32, #tpu.memory_space<vmem>>, vector<16xf32>,
      tpu.vector_store %arg7[%swap3A], %add3A_717 {strides = array<i32>} : memref<25600xf32, #tpu.memory_space<vmem>>, vector<16xf32>,
      %add3A_719 = arith.constant 16 : i32
      %add3A_720 = arith.addi %mul3A_701, %add3A_719 : i32
      %get3A_721 = arith.index_cast %add3A_720 : i32 to index
      %get3A_722 = tpu.vector_load %arg7[%get3A_721] {strides = array<i32>} : memref<25600xf32, #tpu.memory_space<vmem>>, vector<16xf32>,
      %sub3A_723 = arith.subf %gather3A_706, %get3A_722 : vector<16xf32>
      %mul3A_724 = arith.constant 5.000000e-01 : f32
      %mul3A_725 = vector.broadcast %mul3A_724 : f32 to vector<16xf32>
      %mul3A_726 = arith.mulf %sub3A_723, %mul3A_725 : vector<16xf32>
      %add3A_727 = arith.addf %get3A_722, %mul3A_726 : vector<16xf32>
      %swap3A_728 = arith.index_cast %add3A_720 : i32 to index
      %swap3A_729 = tpu.vector_load %arg7[%swap3A_728] {strides = array<i32>} : memref<25600xf32, #tpu.memory_space<vmem>>, vector<16xf32>,
      tpu.vector_store %arg7[%swap3A_728], %add3A_727 {strides = array<i32>} : memref<25600xf32, #tpu.memory_space<vmem>>, vector<16xf32>,
      %add3A_730 = arith.constant 32 : i32
      %add3A_731 = arith.addi %mul3A_701, %add3A_730 : i32
      %get3A_732 = arith.index_cast %add3A_731 : i32 to index
      %get3A_733 = tpu.vector_load %arg7[%get3A_732] {strides = array<i32>} : memref<25600xf32, #tpu.memory_space<vmem>>, vector<16xf32>,
      %sub3A_734 = arith.subf %gather3A_709, %get3A_733 : vector<16xf32>
      %mul3A_735 = arith.constant 5.000000e-01 : f32
      %mul3A_736 = vector.broadcast %mul3A_735 : f32 to vector<16xf32>
      %mul3A_737 = arith.mulf %sub3A_734, %mul3A_736 : vector<16xf32>
      %add3A_738 = arith.addf %get3A_733, %mul3A_737 : vector<16xf32>
      %swap3A_739 = arith.index_cast %add3A_731 : i32 to index
      %swap3A_740 = tpu.vector_load %arg7[%swap3A_739] {strides = array<i32>} : memref<25600xf32, #tpu.memory_space<vmem>>, vector<16xf32>,
      tpu.vector_store %arg7[%swap3A_739], %add3A_738 {strides = array<i32>} : memref<25600xf32, #tpu.memory_space<vmem>>, vector<16xf32>,
    }
    %scan3A_435 = arith.constant 200 : i32
    %add3A_436 = arith.constant 288 : i32
    %add3A_437 = arith.addi %add3A, %add3A_436 : i32
    %lt3A_438 = arith.constant 500 : i32
    %lt3A_439 = arith.cmpi slt, %add3A_437, %lt3A_438 : i32
    %select_n3A_440 = arith.select %lt3A_439, %add3A_437, %add3A : i32
    %mul3A_441 = arith.constant 25600 : i32
    %mul3A_442 = arith.muli %select_n3A_440, %mul3A_441 : i32
    %dma_start3A_443 = tpu.memref_slice %arg4[%mul3A_442] : memref<12800000xf32, #tpu.memory_space<hbm>> -> memref<25600xf32, #tpu.memory_space<hbm>>
    %dma_start3A_444 = tpu.memref_slice %arg4[%mul3A_442] : memref<12800000xf32, #tpu.memory_space<hbm>> -> memref<25600xf32, #tpu.memory_space<hbm>>
    tpu.enqueue_dma source(%arg7 : memref<25600xf32, #tpu.memory_space<vmem>>) target(%dma_start3A_444 : memref<25600xf32, #tpu.memory_space<hbm>>) target_semaphore(%arg15 : memref<!tpu.dma_semaphore, #tpu.memory_space<semaphore_mem>>)
    %dma_wait3A_445 = arith.constant 0 : i32
    %dma_wait3A_446 = tpu.memref_slice %arg4[%dma_wait3A_445] : memref<12800000xf32, #tpu.memory_space<hbm>> -> memref<25600xf32, #tpu.memory_space<hbm>>
    %dma_wait3A_447 = arith.constant 0 : i32
    %dma_wait3A_448 = tpu.memref_slice %arg4[%dma_wait3A_447] : memref<12800000xf32, #tpu.memory_space<hbm>> -> memref<25600xf32, #tpu.memory_space<hbm>>
    tpu.wait_dma2 semaphore(%arg14 : memref<!tpu.dma_semaphore, #tpu.memory_space<semaphore_mem>>) src(%arg6 : memref<25600xf32, #tpu.memory_space<vmem>>) dst(%dma_wait3A_448 : memref<25600xf32, #tpu.memory_space<hbm>>)
    %add3A_449 = arith.constant 384 : i32
    %add3A_450 = arith.addi %add3A, %add3A_449 : i32
    %lt3A_451 = arith.constant 500 : i32
    %lt3A_452 = arith.cmpi slt, %add3A_450, %lt3A_451 : i32
    %select_n3A_453 = arith.select %lt3A_452, %add3A_450, %add3A : i32
    %mul3A_454 = arith.constant 25600 : i32
    %mul3A_455 = arith.muli %select_n3A_453, %mul3A_454 : i32
    %dma_start3A_456 = tpu.memref_slice %arg2[%mul3A_455] : memref<12800000xf32, #tpu.memory_space<hbm>> -> memref<25600xf32, #tpu.memory_space<hbm>>
    %dma_start3A_457 = tpu.memref_slice %arg2[%mul3A_455] : memref<12800000xf32, #tpu.memory_space<hbm>> -> memref<25600xf32, #tpu.memory_space<hbm>>
    tpu.enqueue_dma source(%dma_start3A_457 : memref<25600xf32, #tpu.memory_space<hbm>>) target(%arg6 : memref<25600xf32, #tpu.memory_space<vmem>>) target_semaphore(%arg10 : memref<!tpu.dma_semaphore, #tpu.memory_space<semaphore_mem>>)
    %dma_wait3A_458 = arith.constant 0 : i32
    %dma_wait3A_459 = tpu.memref_slice %arg2[%dma_wait3A_458] : memref<12800000xf32, #tpu.memory_space<hbm>> -> memref<25600xf32, #tpu.memory_space<hbm>>
    %dma_wait3A_460 = arith.constant 0 : i32
    %dma_wait3A_461 = tpu.memref_slice %arg2[%dma_wait3A_460] : memref<12800000xf32, #tpu.memory_space<hbm>> -> memref<25600xf32, #tpu.memory_space<hbm>>
    tpu.wait_dma2 semaphore(%arg12 : memref<!tpu.dma_semaphore, #tpu.memory_space<semaphore_mem>>) src(%dma_wait3A_461 : memref<25600xf32, #tpu.memory_space<hbm>>) dst(%arg8 : memref<25600xf32, #tpu.memory_space<vmem>>)
    %get3A_462 = arith.constant 0 : i32
    %get3A_463 = arith.index_cast %get3A_462 : i32 to index
    %get3A_464 = arith.constant 0 : index
    %get3A_465 = tpu.vector_load %arg5[%get3A_463, %get3A_464] {strides = array<i32>} : memref<8x16xi32, #tpu.memory_space<vmem>>, vector<16xi32>,
    %get3A_466 = arith.constant 1 : i32
    %get3A_467 = arith.index_cast %get3A_466 : i32 to index
    %get3A_468 = arith.constant 0 : index
    %get3A_469 = tpu.vector_load %arg5[%get3A_467, %get3A_468] {strides = array<i32>} : memref<8x16xi32, #tpu.memory_space<vmem>>, vector<16xi32>,
    %get3A_470 = arith.constant 2 : i32
    %get3A_471 = arith.index_cast %get3A_470 : i32 to index
    %get3A_472 = arith.constant 0 : index
    %get3A_473 = tpu.vector_load %arg5[%get3A_471, %get3A_472] {strides = array<i32>} : memref<8x16xi32, #tpu.memory_space<vmem>>, vector<16xi32>,
    %scan3A_474 = arith.constant 0 : i32
    %scan3A_475 = arith.constant 0 : i32
    %scan3A_476 = arith.constant 200 : i32
    %scan3A_477 = arith.addi %scan3A_475, %scan3A_476 : i32
    %scan3A_478 = arith.constant 1 : i32
    scf.for %scan3A_699 = %scan3A_475 to %scan3A_477 step %scan3A_478  : i32 {
      %mul3A_700 = arith.constant 128 : i32
      %mul3A_701 = arith.muli %scan3A_699, %mul3A_700 : i32
      %add3A_702 = vector.broadcast %mul3A_701 : i32 to vector<16xi32>
      %add3A_703 = arith.addi %get3A_465, %add3A_702 : vector<16xi32>
      %gather3A = tpu.vector_load_idx %arg8[%add3A_703] : memref<25600xf32, #tpu.memory_space<vmem>>[vector<16xi32>], vector<16xf32>,
      %add3A_704 = vector.broadcast %mul3A_701 : i32 to vector<16xi32>
      %add3A_705 = arith.addi %get3A_469, %add3A_704 : vector<16xi32>
      %gather3A_706 = tpu.vector_load_idx %arg8[%add3A_705] : memref<25600xf32, #tpu.memory_space<vmem>>[vector<16xi32>], vector<16xf32>,
      %add3A_707 = vector.broadcast %mul3A_701 : i32 to vector<16xi32>
      %add3A_708 = arith.addi %get3A_473, %add3A_707 : vector<16xi32>
      %gather3A_709 = tpu.vector_load_idx %arg8[%add3A_708] : memref<25600xf32, #tpu.memory_space<vmem>>[vector<16xi32>], vector<16xf32>,
      %add3A_710 = arith.constant 0 : i32
      %add3A_711 = arith.addi %mul3A_701, %add3A_710 : i32
      %get3A_712 = arith.index_cast %add3A_711 : i32 to index
      %get3A_713 = tpu.vector_load %arg8[%get3A_712] {strides = array<i32>} : memref<25600xf32, #tpu.memory_space<vmem>>, vector<16xf32>,
      %sub3A = arith.subf %gather3A, %get3A_713 : vector<16xf32>
      %mul3A_714 = arith.constant 5.000000e-01 : f32
      %mul3A_715 = vector.broadcast %mul3A_714 : f32 to vector<16xf32>
      %mul3A_716 = arith.mulf %sub3A, %mul3A_715 : vector<16xf32>
      %add3A_717 = arith.addf %get3A_713, %mul3A_716 : vector<16xf32>
      %swap3A = arith.index_cast %add3A_711 : i32 to index
      %swap3A_718 = tpu.vector_load %arg8[%swap3A] {strides = array<i32>} : memref<25600xf32, #tpu.memory_space<vmem>>, vector<16xf32>,
      tpu.vector_store %arg8[%swap3A], %add3A_717 {strides = array<i32>} : memref<25600xf32, #tpu.memory_space<vmem>>, vector<16xf32>,
      %add3A_719 = arith.constant 16 : i32
      %add3A_720 = arith.addi %mul3A_701, %add3A_719 : i32
      %get3A_721 = arith.index_cast %add3A_720 : i32 to index
      %get3A_722 = tpu.vector_load %arg8[%get3A_721] {strides = array<i32>} : memref<25600xf32, #tpu.memory_space<vmem>>, vector<16xf32>,
      %sub3A_723 = arith.subf %gather3A_706, %get3A_722 : vector<16xf32>
      %mul3A_724 = arith.constant 5.000000e-01 : f32
      %mul3A_725 = vector.broadcast %mul3A_724 : f32 to vector<16xf32>
      %mul3A_726 = arith.mulf %sub3A_723, %mul3A_725 : vector<16xf32>
      %add3A_727 = arith.addf %get3A_722, %mul3A_726 : vector<16xf32>
      %swap3A_728 = arith.index_cast %add3A_720 : i32 to index
      %swap3A_729 = tpu.vector_load %arg8[%swap3A_728] {strides = array<i32>} : memref<25600xf32, #tpu.memory_space<vmem>>, vector<16xf32>,
      tpu.vector_store %arg8[%swap3A_728], %add3A_727 {strides = array<i32>} : memref<25600xf32, #tpu.memory_space<vmem>>, vector<16xf32>,
      %add3A_730 = arith.constant 32 : i32
      %add3A_731 = arith.addi %mul3A_701, %add3A_730 : i32
      %get3A_732 = arith.index_cast %add3A_731 : i32 to index
      %get3A_733 = tpu.vector_load %arg8[%get3A_732] {strides = array<i32>} : memref<25600xf32, #tpu.memory_space<vmem>>, vector<16xf32>,
      %sub3A_734 = arith.subf %gather3A_709, %get3A_733 : vector<16xf32>
      %mul3A_735 = arith.constant 5.000000e-01 : f32
      %mul3A_736 = vector.broadcast %mul3A_735 : f32 to vector<16xf32>
      %mul3A_737 = arith.mulf %sub3A_734, %mul3A_736 : vector<16xf32>
      %add3A_738 = arith.addf %get3A_733, %mul3A_737 : vector<16xf32>
      %swap3A_739 = arith.index_cast %add3A_731 : i32 to index
      %swap3A_740 = tpu.vector_load %arg8[%swap3A_739] {strides = array<i32>} : memref<25600xf32, #tpu.memory_space<vmem>>, vector<16xf32>,
      tpu.vector_store %arg8[%swap3A_739], %add3A_738 {strides = array<i32>} : memref<25600xf32, #tpu.memory_space<vmem>>, vector<16xf32>,
    }
    %scan3A_479 = arith.constant 200 : i32
    %add3A_480 = arith.constant 320 : i32
    %add3A_481 = arith.addi %add3A, %add3A_480 : i32
    %lt3A_482 = arith.constant 500 : i32
    %lt3A_483 = arith.cmpi slt, %add3A_481, %lt3A_482 : i32
    %select_n3A_484 = arith.select %lt3A_483, %add3A_481, %add3A : i32
    %mul3A_485 = arith.constant 25600 : i32
    %mul3A_486 = arith.muli %select_n3A_484, %mul3A_485 : i32
    %dma_start3A_487 = tpu.memref_slice %arg4[%mul3A_486] : memref<12800000xf32, #tpu.memory_space<hbm>> -> memref<25600xf32, #tpu.memory_space<hbm>>
    %dma_start3A_488 = tpu.memref_slice %arg4[%mul3A_486] : memref<12800000xf32, #tpu.memory_space<hbm>> -> memref<25600xf32, #tpu.memory_space<hbm>>
    tpu.enqueue_dma source(%arg8 : memref<25600xf32, #tpu.memory_space<vmem>>) target(%dma_start3A_488 : memref<25600xf32, #tpu.memory_space<hbm>>) target_semaphore(%arg16 : memref<!tpu.dma_semaphore, #tpu.memory_space<semaphore_mem>>)
    %dma_wait3A_489 = arith.constant 0 : i32
    %dma_wait3A_490 = tpu.memref_slice %arg4[%dma_wait3A_489] : memref<12800000xf32, #tpu.memory_space<hbm>> -> memref<25600xf32, #tpu.memory_space<hbm>>
    %dma_wait3A_491 = arith.constant 0 : i32
    %dma_wait3A_492 = tpu.memref_slice %arg4[%dma_wait3A_491] : memref<12800000xf32, #tpu.memory_space<hbm>> -> memref<25600xf32, #tpu.memory_space<hbm>>
    tpu.wait_dma2 semaphore(%arg15 : memref<!tpu.dma_semaphore, #tpu.memory_space<semaphore_mem>>) src(%arg7 : memref<25600xf32, #tpu.memory_space<vmem>>) dst(%dma_wait3A_492 : memref<25600xf32, #tpu.memory_space<hbm>>)
    %add3A_493 = arith.constant 416 : i32
    %add3A_494 = arith.addi %add3A, %add3A_493 : i32
    %lt3A_495 = arith.constant 500 : i32
    %lt3A_496 = arith.cmpi slt, %add3A_494, %lt3A_495 : i32
    %select_n3A_497 = arith.select %lt3A_496, %add3A_494, %add3A : i32
    %mul3A_498 = arith.constant 25600 : i32
    %mul3A_499 = arith.muli %select_n3A_497, %mul3A_498 : i32
    %dma_start3A_500 = tpu.memref_slice %arg2[%mul3A_499] : memref<12800000xf32, #tpu.memory_space<hbm>> -> memref<25600xf32, #tpu.memory_space<hbm>>
    %dma_start3A_501 = tpu.memref_slice %arg2[%mul3A_499] : memref<12800000xf32, #tpu.memory_space<hbm>> -> memref<25600xf32, #tpu.memory_space<hbm>>
    tpu.enqueue_dma source(%dma_start3A_501 : memref<25600xf32, #tpu.memory_space<hbm>>) target(%arg7 : memref<25600xf32, #tpu.memory_space<vmem>>) target_semaphore(%arg11 : memref<!tpu.dma_semaphore, #tpu.memory_space<semaphore_mem>>)
    %dma_wait3A_502 = arith.constant 0 : i32
    %dma_wait3A_503 = tpu.memref_slice %arg2[%dma_wait3A_502] : memref<12800000xf32, #tpu.memory_space<hbm>> -> memref<25600xf32, #tpu.memory_space<hbm>>
    %dma_wait3A_504 = arith.constant 0 : i32
    %dma_wait3A_505 = tpu.memref_slice %arg2[%dma_wait3A_504] : memref<12800000xf32, #tpu.memory_space<hbm>> -> memref<25600xf32, #tpu.memory_space<hbm>>
    tpu.wait_dma2 semaphore(%arg13 : memref<!tpu.dma_semaphore, #tpu.memory_space<semaphore_mem>>) src(%dma_wait3A_505 : memref<25600xf32, #tpu.memory_space<hbm>>) dst(%arg9 : memref<25600xf32, #tpu.memory_space<vmem>>)
    %get3A_506 = arith.constant 0 : i32
    %get3A_507 = arith.index_cast %get3A_506 : i32 to index
    %get3A_508 = arith.constant 0 : index
    %get3A_509 = tpu.vector_load %arg5[%get3A_507, %get3A_508] {strides = array<i32>} : memref<8x16xi32, #tpu.memory_space<vmem>>, vector<16xi32>,
    %get3A_510 = arith.constant 1 : i32
    %get3A_511 = arith.index_cast %get3A_510 : i32 to index
    %get3A_512 = arith.constant 0 : index
    %get3A_513 = tpu.vector_load %arg5[%get3A_511, %get3A_512] {strides = array<i32>} : memref<8x16xi32, #tpu.memory_space<vmem>>, vector<16xi32>,
    %get3A_514 = arith.constant 2 : i32
    %get3A_515 = arith.index_cast %get3A_514 : i32 to index
    %get3A_516 = arith.constant 0 : index
    %get3A_517 = tpu.vector_load %arg5[%get3A_515, %get3A_516] {strides = array<i32>} : memref<8x16xi32, #tpu.memory_space<vmem>>, vector<16xi32>,
    %scan3A_518 = arith.constant 0 : i32
    %scan3A_519 = arith.constant 0 : i32
    %scan3A_520 = arith.constant 200 : i32
    %scan3A_521 = arith.addi %scan3A_519, %scan3A_520 : i32
    %scan3A_522 = arith.constant 1 : i32
    scf.for %scan3A_699 = %scan3A_519 to %scan3A_521 step %scan3A_522  : i32 {
      %mul3A_700 = arith.constant 128 : i32
      %mul3A_701 = arith.muli %scan3A_699, %mul3A_700 : i32
      %add3A_702 = vector.broadcast %mul3A_701 : i32 to vector<16xi32>
      %add3A_703 = arith.addi %get3A_509, %add3A_702 : vector<16xi32>
      %gather3A = tpu.vector_load_idx %arg9[%add3A_703] : memref<25600xf32, #tpu.memory_space<vmem>>[vector<16xi32>], vector<16xf32>,
      %add3A_704 = vector.broadcast %mul3A_701 : i32 to vector<16xi32>
      %add3A_705 = arith.addi %get3A_513, %add3A_704 : vector<16xi32>
      %gather3A_706 = tpu.vector_load_idx %arg9[%add3A_705] : memref<25600xf32, #tpu.memory_space<vmem>>[vector<16xi32>], vector<16xf32>,
      %add3A_707 = vector.broadcast %mul3A_701 : i32 to vector<16xi32>
      %add3A_708 = arith.addi %get3A_517, %add3A_707 : vector<16xi32>
      %gather3A_709 = tpu.vector_load_idx %arg9[%add3A_708] : memref<25600xf32, #tpu.memory_space<vmem>>[vector<16xi32>], vector<16xf32>,
      %add3A_710 = arith.constant 0 : i32
      %add3A_711 = arith.addi %mul3A_701, %add3A_710 : i32
      %get3A_712 = arith.index_cast %add3A_711 : i32 to index
      %get3A_713 = tpu.vector_load %arg9[%get3A_712] {strides = array<i32>} : memref<25600xf32, #tpu.memory_space<vmem>>, vector<16xf32>,
      %sub3A = arith.subf %gather3A, %get3A_713 : vector<16xf32>
      %mul3A_714 = arith.constant 5.000000e-01 : f32
      %mul3A_715 = vector.broadcast %mul3A_714 : f32 to vector<16xf32>
      %mul3A_716 = arith.mulf %sub3A, %mul3A_715 : vector<16xf32>
      %add3A_717 = arith.addf %get3A_713, %mul3A_716 : vector<16xf32>
      %swap3A = arith.index_cast %add3A_711 : i32 to index
      %swap3A_718 = tpu.vector_load %arg9[%swap3A] {strides = array<i32>} : memref<25600xf32, #tpu.memory_space<vmem>>, vector<16xf32>,
      tpu.vector_store %arg9[%swap3A], %add3A_717 {strides = array<i32>} : memref<25600xf32, #tpu.memory_space<vmem>>, vector<16xf32>,
      %add3A_719 = arith.constant 16 : i32
      %add3A_720 = arith.addi %mul3A_701, %add3A_719 : i32
      %get3A_721 = arith.index_cast %add3A_720 : i32 to index
      %get3A_722 = tpu.vector_load %arg9[%get3A_721] {strides = array<i32>} : memref<25600xf32, #tpu.memory_space<vmem>>, vector<16xf32>,
      %sub3A_723 = arith.subf %gather3A_706, %get3A_722 : vector<16xf32>
      %mul3A_724 = arith.constant 5.000000e-01 : f32
      %mul3A_725 = vector.broadcast %mul3A_724 : f32 to vector<16xf32>
      %mul3A_726 = arith.mulf %sub3A_723, %mul3A_725 : vector<16xf32>
      %add3A_727 = arith.addf %get3A_722, %mul3A_726 : vector<16xf32>
      %swap3A_728 = arith.index_cast %add3A_720 : i32 to index
      %swap3A_729 = tpu.vector_load %arg9[%swap3A_728] {strides = array<i32>} : memref<25600xf32, #tpu.memory_space<vmem>>, vector<16xf32>,
      tpu.vector_store %arg9[%swap3A_728], %add3A_727 {strides = array<i32>} : memref<25600xf32, #tpu.memory_space<vmem>>, vector<16xf32>,
      %add3A_730 = arith.constant 32 : i32
      %add3A_731 = arith.addi %mul3A_701, %add3A_730 : i32
      %get3A_732 = arith.index_cast %add3A_731 : i32 to index
      %get3A_733 = tpu.vector_load %arg9[%get3A_732] {strides = array<i32>} : memref<25600xf32, #tpu.memory_space<vmem>>, vector<16xf32>,
      %sub3A_734 = arith.subf %gather3A_709, %get3A_733 : vector<16xf32>
      %mul3A_735 = arith.constant 5.000000e-01 : f32
      %mul3A_736 = vector.broadcast %mul3A_735 : f32 to vector<16xf32>
      %mul3A_737 = arith.mulf %sub3A_734, %mul3A_736 : vector<16xf32>
      %add3A_738 = arith.addf %get3A_733, %mul3A_737 : vector<16xf32>
      %swap3A_739 = arith.index_cast %add3A_731 : i32 to index
      %swap3A_740 = tpu.vector_load %arg9[%swap3A_739] {strides = array<i32>} : memref<25600xf32, #tpu.memory_space<vmem>>, vector<16xf32>,
      tpu.vector_store %arg9[%swap3A_739], %add3A_738 {strides = array<i32>} : memref<25600xf32, #tpu.memory_space<vmem>>, vector<16xf32>,
    }
    %scan3A_523 = arith.constant 200 : i32
    %add3A_524 = arith.constant 352 : i32
    %add3A_525 = arith.addi %add3A, %add3A_524 : i32
    %lt3A_526 = arith.constant 500 : i32
    %lt3A_527 = arith.cmpi slt, %add3A_525, %lt3A_526 : i32
    %select_n3A_528 = arith.select %lt3A_527, %add3A_525, %add3A : i32
    %mul3A_529 = arith.constant 25600 : i32
    %mul3A_530 = arith.muli %select_n3A_528, %mul3A_529 : i32
    %dma_start3A_531 = tpu.memref_slice %arg4[%mul3A_530] : memref<12800000xf32, #tpu.memory_space<hbm>> -> memref<25600xf32, #tpu.memory_space<hbm>>
    %dma_start3A_532 = tpu.memref_slice %arg4[%mul3A_530] : memref<12800000xf32, #tpu.memory_space<hbm>> -> memref<25600xf32, #tpu.memory_space<hbm>>
    tpu.enqueue_dma source(%arg9 : memref<25600xf32, #tpu.memory_space<vmem>>) target(%dma_start3A_532 : memref<25600xf32, #tpu.memory_space<hbm>>) target_semaphore(%arg17 : memref<!tpu.dma_semaphore, #tpu.memory_space<semaphore_mem>>)
    %dma_wait3A_533 = arith.constant 0 : i32
    %dma_wait3A_534 = tpu.memref_slice %arg4[%dma_wait3A_533] : memref<12800000xf32, #tpu.memory_space<hbm>> -> memref<25600xf32, #tpu.memory_space<hbm>>
    %dma_wait3A_535 = arith.constant 0 : i32
    %dma_wait3A_536 = tpu.memref_slice %arg4[%dma_wait3A_535] : memref<12800000xf32, #tpu.memory_space<hbm>> -> memref<25600xf32, #tpu.memory_space<hbm>>
    tpu.wait_dma2 semaphore(%arg16 : memref<!tpu.dma_semaphore, #tpu.memory_space<semaphore_mem>>) src(%arg8 : memref<25600xf32, #tpu.memory_space<vmem>>) dst(%dma_wait3A_536 : memref<25600xf32, #tpu.memory_space<hbm>>)
    %add3A_537 = arith.constant 448 : i32
    %add3A_538 = arith.addi %add3A, %add3A_537 : i32
    %lt3A_539 = arith.constant 500 : i32
    %lt3A_540 = arith.cmpi slt, %add3A_538, %lt3A_539 : i32
    %select_n3A_541 = arith.select %lt3A_540, %add3A_538, %add3A : i32
    %mul3A_542 = arith.constant 25600 : i32
    %mul3A_543 = arith.muli %select_n3A_541, %mul3A_542 : i32
    %dma_start3A_544 = tpu.memref_slice %arg2[%mul3A_543] : memref<12800000xf32, #tpu.memory_space<hbm>> -> memref<25600xf32, #tpu.memory_space<hbm>>
    %dma_start3A_545 = tpu.memref_slice %arg2[%mul3A_543] : memref<12800000xf32, #tpu.memory_space<hbm>> -> memref<25600xf32, #tpu.memory_space<hbm>>
    tpu.enqueue_dma source(%dma_start3A_545 : memref<25600xf32, #tpu.memory_space<hbm>>) target(%arg8 : memref<25600xf32, #tpu.memory_space<vmem>>) target_semaphore(%arg12 : memref<!tpu.dma_semaphore, #tpu.memory_space<semaphore_mem>>)
    %dma_wait3A_546 = arith.constant 0 : i32
    %dma_wait3A_547 = tpu.memref_slice %arg2[%dma_wait3A_546] : memref<12800000xf32, #tpu.memory_space<hbm>> -> memref<25600xf32, #tpu.memory_space<hbm>>
    %dma_wait3A_548 = arith.constant 0 : i32
    %dma_wait3A_549 = tpu.memref_slice %arg2[%dma_wait3A_548] : memref<12800000xf32, #tpu.memory_space<hbm>> -> memref<25600xf32, #tpu.memory_space<hbm>>
    tpu.wait_dma2 semaphore(%arg10 : memref<!tpu.dma_semaphore, #tpu.memory_space<semaphore_mem>>) src(%dma_wait3A_549 : memref<25600xf32, #tpu.memory_space<hbm>>) dst(%arg6 : memref<25600xf32, #tpu.memory_space<vmem>>)
    %get3A_550 = arith.constant 0 : i32
    %get3A_551 = arith.index_cast %get3A_550 : i32 to index
    %get3A_552 = arith.constant 0 : index
    %get3A_553 = tpu.vector_load %arg5[%get3A_551, %get3A_552] {strides = array<i32>} : memref<8x16xi32, #tpu.memory_space<vmem>>, vector<16xi32>,
    %get3A_554 = arith.constant 1 : i32
    %get3A_555 = arith.index_cast %get3A_554 : i32 to index
    %get3A_556 = arith.constant 0 : index
    %get3A_557 = tpu.vector_load %arg5[%get3A_555, %get3A_556] {strides = array<i32>} : memref<8x16xi32, #tpu.memory_space<vmem>>, vector<16xi32>,
    %get3A_558 = arith.constant 2 : i32
    %get3A_559 = arith.index_cast %get3A_558 : i32 to index
    %get3A_560 = arith.constant 0 : index
    %get3A_561 = tpu.vector_load %arg5[%get3A_559, %get3A_560] {strides = array<i32>} : memref<8x16xi32, #tpu.memory_space<vmem>>, vector<16xi32>,
    %scan3A_562 = arith.constant 0 : i32
    %scan3A_563 = arith.constant 0 : i32
    %scan3A_564 = arith.constant 200 : i32
    %scan3A_565 = arith.addi %scan3A_563, %scan3A_564 : i32
    %scan3A_566 = arith.constant 1 : i32
    scf.for %scan3A_699 = %scan3A_563 to %scan3A_565 step %scan3A_566  : i32 {
      %mul3A_700 = arith.constant 128 : i32
      %mul3A_701 = arith.muli %scan3A_699, %mul3A_700 : i32
      %add3A_702 = vector.broadcast %mul3A_701 : i32 to vector<16xi32>
      %add3A_703 = arith.addi %get3A_553, %add3A_702 : vector<16xi32>
      %gather3A = tpu.vector_load_idx %arg6[%add3A_703] : memref<25600xf32, #tpu.memory_space<vmem>>[vector<16xi32>], vector<16xf32>,
      %add3A_704 = vector.broadcast %mul3A_701 : i32 to vector<16xi32>
      %add3A_705 = arith.addi %get3A_557, %add3A_704 : vector<16xi32>
      %gather3A_706 = tpu.vector_load_idx %arg6[%add3A_705] : memref<25600xf32, #tpu.memory_space<vmem>>[vector<16xi32>], vector<16xf32>,
      %add3A_707 = vector.broadcast %mul3A_701 : i32 to vector<16xi32>
      %add3A_708 = arith.addi %get3A_561, %add3A_707 : vector<16xi32>
      %gather3A_709 = tpu.vector_load_idx %arg6[%add3A_708] : memref<25600xf32, #tpu.memory_space<vmem>>[vector<16xi32>], vector<16xf32>,
      %add3A_710 = arith.constant 0 : i32
      %add3A_711 = arith.addi %mul3A_701, %add3A_710 : i32
      %get3A_712 = arith.index_cast %add3A_711 : i32 to index
      %get3A_713 = tpu.vector_load %arg6[%get3A_712] {strides = array<i32>} : memref<25600xf32, #tpu.memory_space<vmem>>, vector<16xf32>,
      %sub3A = arith.subf %gather3A, %get3A_713 : vector<16xf32>
      %mul3A_714 = arith.constant 5.000000e-01 : f32
      %mul3A_715 = vector.broadcast %mul3A_714 : f32 to vector<16xf32>
      %mul3A_716 = arith.mulf %sub3A, %mul3A_715 : vector<16xf32>
      %add3A_717 = arith.addf %get3A_713, %mul3A_716 : vector<16xf32>
      %swap3A = arith.index_cast %add3A_711 : i32 to index
      %swap3A_718 = tpu.vector_load %arg6[%swap3A] {strides = array<i32>} : memref<25600xf32, #tpu.memory_space<vmem>>, vector<16xf32>,
      tpu.vector_store %arg6[%swap3A], %add3A_717 {strides = array<i32>} : memref<25600xf32, #tpu.memory_space<vmem>>, vector<16xf32>,
      %add3A_719 = arith.constant 16 : i32
      %add3A_720 = arith.addi %mul3A_701, %add3A_719 : i32
      %get3A_721 = arith.index_cast %add3A_720 : i32 to index
      %get3A_722 = tpu.vector_load %arg6[%get3A_721] {strides = array<i32>} : memref<25600xf32, #tpu.memory_space<vmem>>, vector<16xf32>,
      %sub3A_723 = arith.subf %gather3A_706, %get3A_722 : vector<16xf32>
      %mul3A_724 = arith.constant 5.000000e-01 : f32
      %mul3A_725 = vector.broadcast %mul3A_724 : f32 to vector<16xf32>
      %mul3A_726 = arith.mulf %sub3A_723, %mul3A_725 : vector<16xf32>
      %add3A_727 = arith.addf %get3A_722, %mul3A_726 : vector<16xf32>
      %swap3A_728 = arith.index_cast %add3A_720 : i32 to index
      %swap3A_729 = tpu.vector_load %arg6[%swap3A_728] {strides = array<i32>} : memref<25600xf32, #tpu.memory_space<vmem>>, vector<16xf32>,
      tpu.vector_store %arg6[%swap3A_728], %add3A_727 {strides = array<i32>} : memref<25600xf32, #tpu.memory_space<vmem>>, vector<16xf32>,
      %add3A_730 = arith.constant 32 : i32
      %add3A_731 = arith.addi %mul3A_701, %add3A_730 : i32
      %get3A_732 = arith.index_cast %add3A_731 : i32 to index
      %get3A_733 = tpu.vector_load %arg6[%get3A_732] {strides = array<i32>} : memref<25600xf32, #tpu.memory_space<vmem>>, vector<16xf32>,
      %sub3A_734 = arith.subf %gather3A_709, %get3A_733 : vector<16xf32>
      %mul3A_735 = arith.constant 5.000000e-01 : f32
      %mul3A_736 = vector.broadcast %mul3A_735 : f32 to vector<16xf32>
      %mul3A_737 = arith.mulf %sub3A_734, %mul3A_736 : vector<16xf32>
      %add3A_738 = arith.addf %get3A_733, %mul3A_737 : vector<16xf32>
      %swap3A_739 = arith.index_cast %add3A_731 : i32 to index
      %swap3A_740 = tpu.vector_load %arg6[%swap3A_739] {strides = array<i32>} : memref<25600xf32, #tpu.memory_space<vmem>>, vector<16xf32>,
      tpu.vector_store %arg6[%swap3A_739], %add3A_738 {strides = array<i32>} : memref<25600xf32, #tpu.memory_space<vmem>>, vector<16xf32>,
    }
    %scan3A_567 = arith.constant 200 : i32
    %add3A_568 = arith.constant 384 : i32
    %add3A_569 = arith.addi %add3A, %add3A_568 : i32
    %lt3A_570 = arith.constant 500 : i32
    %lt3A_571 = arith.cmpi slt, %add3A_569, %lt3A_570 : i32
    %select_n3A_572 = arith.select %lt3A_571, %add3A_569, %add3A : i32
    %mul3A_573 = arith.constant 25600 : i32
    %mul3A_574 = arith.muli %select_n3A_572, %mul3A_573 : i32
    %dma_start3A_575 = tpu.memref_slice %arg4[%mul3A_574] : memref<12800000xf32, #tpu.memory_space<hbm>> -> memref<25600xf32, #tpu.memory_space<hbm>>
    %dma_start3A_576 = tpu.memref_slice %arg4[%mul3A_574] : memref<12800000xf32, #tpu.memory_space<hbm>> -> memref<25600xf32, #tpu.memory_space<hbm>>
    tpu.enqueue_dma source(%arg6 : memref<25600xf32, #tpu.memory_space<vmem>>) target(%dma_start3A_576 : memref<25600xf32, #tpu.memory_space<hbm>>) target_semaphore(%arg14 : memref<!tpu.dma_semaphore, #tpu.memory_space<semaphore_mem>>)
    %dma_wait3A_577 = arith.constant 0 : i32
    %dma_wait3A_578 = tpu.memref_slice %arg4[%dma_wait3A_577] : memref<12800000xf32, #tpu.memory_space<hbm>> -> memref<25600xf32, #tpu.memory_space<hbm>>
    %dma_wait3A_579 = arith.constant 0 : i32
    %dma_wait3A_580 = tpu.memref_slice %arg4[%dma_wait3A_579] : memref<12800000xf32, #tpu.memory_space<hbm>> -> memref<25600xf32, #tpu.memory_space<hbm>>
    tpu.wait_dma2 semaphore(%arg17 : memref<!tpu.dma_semaphore, #tpu.memory_space<semaphore_mem>>) src(%arg9 : memref<25600xf32, #tpu.memory_space<vmem>>) dst(%dma_wait3A_580 : memref<25600xf32, #tpu.memory_space<hbm>>)
    %add3A_581 = arith.constant 480 : i32
    %add3A_582 = arith.addi %add3A, %add3A_581 : i32
    %lt3A_583 = arith.constant 500 : i32
    %lt3A_584 = arith.cmpi slt, %add3A_582, %lt3A_583 : i32
    %select_n3A_585 = arith.select %lt3A_584, %add3A_582, %add3A : i32
    %mul3A_586 = arith.constant 25600 : i32
    %mul3A_587 = arith.muli %select_n3A_585, %mul3A_586 : i32
    %dma_start3A_588 = tpu.memref_slice %arg2[%mul3A_587] : memref<12800000xf32, #tpu.memory_space<hbm>> -> memref<25600xf32, #tpu.memory_space<hbm>>
    %dma_start3A_589 = tpu.memref_slice %arg2[%mul3A_587] : memref<12800000xf32, #tpu.memory_space<hbm>> -> memref<25600xf32, #tpu.memory_space<hbm>>
    tpu.enqueue_dma source(%dma_start3A_589 : memref<25600xf32, #tpu.memory_space<hbm>>) target(%arg9 : memref<25600xf32, #tpu.memory_space<vmem>>) target_semaphore(%arg13 : memref<!tpu.dma_semaphore, #tpu.memory_space<semaphore_mem>>)
    %dma_wait3A_590 = arith.constant 0 : i32
    %dma_wait3A_591 = tpu.memref_slice %arg2[%dma_wait3A_590] : memref<12800000xf32, #tpu.memory_space<hbm>> -> memref<25600xf32, #tpu.memory_space<hbm>>
    %dma_wait3A_592 = arith.constant 0 : i32
    %dma_wait3A_593 = tpu.memref_slice %arg2[%dma_wait3A_592] : memref<12800000xf32, #tpu.memory_space<hbm>> -> memref<25600xf32, #tpu.memory_space<hbm>>
    tpu.wait_dma2 semaphore(%arg11 : memref<!tpu.dma_semaphore, #tpu.memory_space<semaphore_mem>>) src(%dma_wait3A_593 : memref<25600xf32, #tpu.memory_space<hbm>>) dst(%arg7 : memref<25600xf32, #tpu.memory_space<vmem>>)
    %get3A_594 = arith.constant 0 : i32
    %get3A_595 = arith.index_cast %get3A_594 : i32 to index
    %get3A_596 = arith.constant 0 : index
    %get3A_597 = tpu.vector_load %arg5[%get3A_595, %get3A_596] {strides = array<i32>} : memref<8x16xi32, #tpu.memory_space<vmem>>, vector<16xi32>,
    %get3A_598 = arith.constant 1 : i32
    %get3A_599 = arith.index_cast %get3A_598 : i32 to index
    %get3A_600 = arith.constant 0 : index
    %get3A_601 = tpu.vector_load %arg5[%get3A_599, %get3A_600] {strides = array<i32>} : memref<8x16xi32, #tpu.memory_space<vmem>>, vector<16xi32>,
    %get3A_602 = arith.constant 2 : i32
    %get3A_603 = arith.index_cast %get3A_602 : i32 to index
    %get3A_604 = arith.constant 0 : index
    %get3A_605 = tpu.vector_load %arg5[%get3A_603, %get3A_604] {strides = array<i32>} : memref<8x16xi32, #tpu.memory_space<vmem>>, vector<16xi32>,
    %scan3A_606 = arith.constant 0 : i32
    %scan3A_607 = arith.constant 0 : i32
    %scan3A_608 = arith.constant 200 : i32
    %scan3A_609 = arith.addi %scan3A_607, %scan3A_608 : i32
    %scan3A_610 = arith.constant 1 : i32
    scf.for %scan3A_699 = %scan3A_607 to %scan3A_609 step %scan3A_610  : i32 {
      %mul3A_700 = arith.constant 128 : i32
      %mul3A_701 = arith.muli %scan3A_699, %mul3A_700 : i32
      %add3A_702 = vector.broadcast %mul3A_701 : i32 to vector<16xi32>
      %add3A_703 = arith.addi %get3A_597, %add3A_702 : vector<16xi32>
      %gather3A = tpu.vector_load_idx %arg7[%add3A_703] : memref<25600xf32, #tpu.memory_space<vmem>>[vector<16xi32>], vector<16xf32>,
      %add3A_704 = vector.broadcast %mul3A_701 : i32 to vector<16xi32>
      %add3A_705 = arith.addi %get3A_601, %add3A_704 : vector<16xi32>
      %gather3A_706 = tpu.vector_load_idx %arg7[%add3A_705] : memref<25600xf32, #tpu.memory_space<vmem>>[vector<16xi32>], vector<16xf32>,
      %add3A_707 = vector.broadcast %mul3A_701 : i32 to vector<16xi32>
      %add3A_708 = arith.addi %get3A_605, %add3A_707 : vector<16xi32>
      %gather3A_709 = tpu.vector_load_idx %arg7[%add3A_708] : memref<25600xf32, #tpu.memory_space<vmem>>[vector<16xi32>], vector<16xf32>,
      %add3A_710 = arith.constant 0 : i32
      %add3A_711 = arith.addi %mul3A_701, %add3A_710 : i32
      %get3A_712 = arith.index_cast %add3A_711 : i32 to index
      %get3A_713 = tpu.vector_load %arg7[%get3A_712] {strides = array<i32>} : memref<25600xf32, #tpu.memory_space<vmem>>, vector<16xf32>,
      %sub3A = arith.subf %gather3A, %get3A_713 : vector<16xf32>
      %mul3A_714 = arith.constant 5.000000e-01 : f32
      %mul3A_715 = vector.broadcast %mul3A_714 : f32 to vector<16xf32>
      %mul3A_716 = arith.mulf %sub3A, %mul3A_715 : vector<16xf32>
      %add3A_717 = arith.addf %get3A_713, %mul3A_716 : vector<16xf32>
      %swap3A = arith.index_cast %add3A_711 : i32 to index
      %swap3A_718 = tpu.vector_load %arg7[%swap3A] {strides = array<i32>} : memref<25600xf32, #tpu.memory_space<vmem>>, vector<16xf32>,
      tpu.vector_store %arg7[%swap3A], %add3A_717 {strides = array<i32>} : memref<25600xf32, #tpu.memory_space<vmem>>, vector<16xf32>,
      %add3A_719 = arith.constant 16 : i32
      %add3A_720 = arith.addi %mul3A_701, %add3A_719 : i32
      %get3A_721 = arith.index_cast %add3A_720 : i32 to index
      %get3A_722 = tpu.vector_load %arg7[%get3A_721] {strides = array<i32>} : memref<25600xf32, #tpu.memory_space<vmem>>, vector<16xf32>,
      %sub3A_723 = arith.subf %gather3A_706, %get3A_722 : vector<16xf32>
      %mul3A_724 = arith.constant 5.000000e-01 : f32
      %mul3A_725 = vector.broadcast %mul3A_724 : f32 to vector<16xf32>
      %mul3A_726 = arith.mulf %sub3A_723, %mul3A_725 : vector<16xf32>
      %add3A_727 = arith.addf %get3A_722, %mul3A_726 : vector<16xf32>
      %swap3A_728 = arith.index_cast %add3A_720 : i32 to index
      %swap3A_729 = tpu.vector_load %arg7[%swap3A_728] {strides = array<i32>} : memref<25600xf32, #tpu.memory_space<vmem>>, vector<16xf32>,
      tpu.vector_store %arg7[%swap3A_728], %add3A_727 {strides = array<i32>} : memref<25600xf32, #tpu.memory_space<vmem>>, vector<16xf32>,
      %add3A_730 = arith.constant 32 : i32
      %add3A_731 = arith.addi %mul3A_701, %add3A_730 : i32
      %get3A_732 = arith.index_cast %add3A_731 : i32 to index
      %get3A_733 = tpu.vector_load %arg7[%get3A_732] {strides = array<i32>} : memref<25600xf32, #tpu.memory_space<vmem>>, vector<16xf32>,
      %sub3A_734 = arith.subf %gather3A_709, %get3A_733 : vector<16xf32>
      %mul3A_735 = arith.constant 5.000000e-01 : f32
      %mul3A_736 = vector.broadcast %mul3A_735 : f32 to vector<16xf32>
      %mul3A_737 = arith.mulf %sub3A_734, %mul3A_736 : vector<16xf32>
      %add3A_738 = arith.addf %get3A_733, %mul3A_737 : vector<16xf32>
      %swap3A_739 = arith.index_cast %add3A_731 : i32 to index
      %swap3A_740 = tpu.vector_load %arg7[%swap3A_739] {strides = array<i32>} : memref<25600xf32, #tpu.memory_space<vmem>>, vector<16xf32>,
      tpu.vector_store %arg7[%swap3A_739], %add3A_738 {strides = array<i32>} : memref<25600xf32, #tpu.memory_space<vmem>>, vector<16xf32>,
    }
    %scan3A_611 = arith.constant 200 : i32
    %add3A_612 = arith.constant 416 : i32
    %add3A_613 = arith.addi %add3A, %add3A_612 : i32
    %lt3A_614 = arith.constant 500 : i32
    %lt3A_615 = arith.cmpi slt, %add3A_613, %lt3A_614 : i32
    %select_n3A_616 = arith.select %lt3A_615, %add3A_613, %add3A : i32
    %mul3A_617 = arith.constant 25600 : i32
    %mul3A_618 = arith.muli %select_n3A_616, %mul3A_617 : i32
    %dma_start3A_619 = tpu.memref_slice %arg4[%mul3A_618] : memref<12800000xf32, #tpu.memory_space<hbm>> -> memref<25600xf32, #tpu.memory_space<hbm>>
    %dma_start3A_620 = tpu.memref_slice %arg4[%mul3A_618] : memref<12800000xf32, #tpu.memory_space<hbm>> -> memref<25600xf32, #tpu.memory_space<hbm>>
    tpu.enqueue_dma source(%arg7 : memref<25600xf32, #tpu.memory_space<vmem>>) target(%dma_start3A_620 : memref<25600xf32, #tpu.memory_space<hbm>>) target_semaphore(%arg15 : memref<!tpu.dma_semaphore, #tpu.memory_space<semaphore_mem>>)
    %dma_wait3A_621 = arith.constant 0 : i32
    %dma_wait3A_622 = tpu.memref_slice %arg2[%dma_wait3A_621] : memref<12800000xf32, #tpu.memory_space<hbm>> -> memref<25600xf32, #tpu.memory_space<hbm>>
    %dma_wait3A_623 = arith.constant 0 : i32
    %dma_wait3A_624 = tpu.memref_slice %arg2[%dma_wait3A_623] : memref<12800000xf32, #tpu.memory_space<hbm>> -> memref<25600xf32, #tpu.memory_space<hbm>>
    tpu.wait_dma2 semaphore(%arg12 : memref<!tpu.dma_semaphore, #tpu.memory_space<semaphore_mem>>) src(%dma_wait3A_624 : memref<25600xf32, #tpu.memory_space<hbm>>) dst(%arg8 : memref<25600xf32, #tpu.memory_space<vmem>>)
    %get3A_625 = arith.constant 0 : i32
    %get3A_626 = arith.index_cast %get3A_625 : i32 to index
    %get3A_627 = arith.constant 0 : index
    %get3A_628 = tpu.vector_load %arg5[%get3A_626, %get3A_627] {strides = array<i32>} : memref<8x16xi32, #tpu.memory_space<vmem>>, vector<16xi32>,
    %get3A_629 = arith.constant 1 : i32
    %get3A_630 = arith.index_cast %get3A_629 : i32 to index
    %get3A_631 = arith.constant 0 : index
    %get3A_632 = tpu.vector_load %arg5[%get3A_630, %get3A_631] {strides = array<i32>} : memref<8x16xi32, #tpu.memory_space<vmem>>, vector<16xi32>,
    %get3A_633 = arith.constant 2 : i32
    %get3A_634 = arith.index_cast %get3A_633 : i32 to index
    %get3A_635 = arith.constant 0 : index
    %get3A_636 = tpu.vector_load %arg5[%get3A_634, %get3A_635] {strides = array<i32>} : memref<8x16xi32, #tpu.memory_space<vmem>>, vector<16xi32>,
    %scan3A_637 = arith.constant 0 : i32
    %scan3A_638 = arith.constant 0 : i32
    %scan3A_639 = arith.constant 200 : i32
    %scan3A_640 = arith.addi %scan3A_638, %scan3A_639 : i32
    %scan3A_641 = arith.constant 1 : i32
    scf.for %scan3A_699 = %scan3A_638 to %scan3A_640 step %scan3A_641  : i32 {
      %mul3A_700 = arith.constant 128 : i32
      %mul3A_701 = arith.muli %scan3A_699, %mul3A_700 : i32
      %add3A_702 = vector.broadcast %mul3A_701 : i32 to vector<16xi32>
      %add3A_703 = arith.addi %get3A_628, %add3A_702 : vector<16xi32>
      %gather3A = tpu.vector_load_idx %arg8[%add3A_703] : memref<25600xf32, #tpu.memory_space<vmem>>[vector<16xi32>], vector<16xf32>,
      %add3A_704 = vector.broadcast %mul3A_701 : i32 to vector<16xi32>
      %add3A_705 = arith.addi %get3A_632, %add3A_704 : vector<16xi32>
      %gather3A_706 = tpu.vector_load_idx %arg8[%add3A_705] : memref<25600xf32, #tpu.memory_space<vmem>>[vector<16xi32>], vector<16xf32>,
      %add3A_707 = vector.broadcast %mul3A_701 : i32 to vector<16xi32>
      %add3A_708 = arith.addi %get3A_636, %add3A_707 : vector<16xi32>
      %gather3A_709 = tpu.vector_load_idx %arg8[%add3A_708] : memref<25600xf32, #tpu.memory_space<vmem>>[vector<16xi32>], vector<16xf32>,
      %add3A_710 = arith.constant 0 : i32
      %add3A_711 = arith.addi %mul3A_701, %add3A_710 : i32
      %get3A_712 = arith.index_cast %add3A_711 : i32 to index
      %get3A_713 = tpu.vector_load %arg8[%get3A_712] {strides = array<i32>} : memref<25600xf32, #tpu.memory_space<vmem>>, vector<16xf32>,
      %sub3A = arith.subf %gather3A, %get3A_713 : vector<16xf32>
      %mul3A_714 = arith.constant 5.000000e-01 : f32
      %mul3A_715 = vector.broadcast %mul3A_714 : f32 to vector<16xf32>
      %mul3A_716 = arith.mulf %sub3A, %mul3A_715 : vector<16xf32>
      %add3A_717 = arith.addf %get3A_713, %mul3A_716 : vector<16xf32>
      %swap3A = arith.index_cast %add3A_711 : i32 to index
      %swap3A_718 = tpu.vector_load %arg8[%swap3A] {strides = array<i32>} : memref<25600xf32, #tpu.memory_space<vmem>>, vector<16xf32>,
      tpu.vector_store %arg8[%swap3A], %add3A_717 {strides = array<i32>} : memref<25600xf32, #tpu.memory_space<vmem>>, vector<16xf32>,
      %add3A_719 = arith.constant 16 : i32
      %add3A_720 = arith.addi %mul3A_701, %add3A_719 : i32
      %get3A_721 = arith.index_cast %add3A_720 : i32 to index
      %get3A_722 = tpu.vector_load %arg8[%get3A_721] {strides = array<i32>} : memref<25600xf32, #tpu.memory_space<vmem>>, vector<16xf32>,
      %sub3A_723 = arith.subf %gather3A_706, %get3A_722 : vector<16xf32>
      %mul3A_724 = arith.constant 5.000000e-01 : f32
      %mul3A_725 = vector.broadcast %mul3A_724 : f32 to vector<16xf32>
      %mul3A_726 = arith.mulf %sub3A_723, %mul3A_725 : vector<16xf32>
      %add3A_727 = arith.addf %get3A_722, %mul3A_726 : vector<16xf32>
      %swap3A_728 = arith.index_cast %add3A_720 : i32 to index
      %swap3A_729 = tpu.vector_load %arg8[%swap3A_728] {strides = array<i32>} : memref<25600xf32, #tpu.memory_space<vmem>>, vector<16xf32>,
      tpu.vector_store %arg8[%swap3A_728], %add3A_727 {strides = array<i32>} : memref<25600xf32, #tpu.memory_space<vmem>>, vector<16xf32>,
      %add3A_730 = arith.constant 32 : i32
      %add3A_731 = arith.addi %mul3A_701, %add3A_730 : i32
      %get3A_732 = arith.index_cast %add3A_731 : i32 to index
      %get3A_733 = tpu.vector_load %arg8[%get3A_732] {strides = array<i32>} : memref<25600xf32, #tpu.memory_space<vmem>>, vector<16xf32>,
      %sub3A_734 = arith.subf %gather3A_709, %get3A_733 : vector<16xf32>
      %mul3A_735 = arith.constant 5.000000e-01 : f32
      %mul3A_736 = vector.broadcast %mul3A_735 : f32 to vector<16xf32>
      %mul3A_737 = arith.mulf %sub3A_734, %mul3A_736 : vector<16xf32>
      %add3A_738 = arith.addf %get3A_733, %mul3A_737 : vector<16xf32>
      %swap3A_739 = arith.index_cast %add3A_731 : i32 to index
      %swap3A_740 = tpu.vector_load %arg8[%swap3A_739] {strides = array<i32>} : memref<25600xf32, #tpu.memory_space<vmem>>, vector<16xf32>,
      tpu.vector_store %arg8[%swap3A_739], %add3A_738 {strides = array<i32>} : memref<25600xf32, #tpu.memory_space<vmem>>, vector<16xf32>,
    }
    %scan3A_642 = arith.constant 200 : i32
    %add3A_643 = arith.constant 448 : i32
    %add3A_644 = arith.addi %add3A, %add3A_643 : i32
    %lt3A_645 = arith.constant 500 : i32
    %lt3A_646 = arith.cmpi slt, %add3A_644, %lt3A_645 : i32
    %select_n3A_647 = arith.select %lt3A_646, %add3A_644, %add3A : i32
    %mul3A_648 = arith.constant 25600 : i32
    %mul3A_649 = arith.muli %select_n3A_647, %mul3A_648 : i32
    %dma_start3A_650 = tpu.memref_slice %arg4[%mul3A_649] : memref<12800000xf32, #tpu.memory_space<hbm>> -> memref<25600xf32, #tpu.memory_space<hbm>>
    %dma_start3A_651 = tpu.memref_slice %arg4[%mul3A_649] : memref<12800000xf32, #tpu.memory_space<hbm>> -> memref<25600xf32, #tpu.memory_space<hbm>>
    tpu.enqueue_dma source(%arg8 : memref<25600xf32, #tpu.memory_space<vmem>>) target(%dma_start3A_651 : memref<25600xf32, #tpu.memory_space<hbm>>) target_semaphore(%arg16 : memref<!tpu.dma_semaphore, #tpu.memory_space<semaphore_mem>>)
    %dma_wait3A_652 = arith.constant 0 : i32
    %dma_wait3A_653 = tpu.memref_slice %arg2[%dma_wait3A_652] : memref<12800000xf32, #tpu.memory_space<hbm>> -> memref<25600xf32, #tpu.memory_space<hbm>>
    %dma_wait3A_654 = arith.constant 0 : i32
    %dma_wait3A_655 = tpu.memref_slice %arg2[%dma_wait3A_654] : memref<12800000xf32, #tpu.memory_space<hbm>> -> memref<25600xf32, #tpu.memory_space<hbm>>
    tpu.wait_dma2 semaphore(%arg13 : memref<!tpu.dma_semaphore, #tpu.memory_space<semaphore_mem>>) src(%dma_wait3A_655 : memref<25600xf32, #tpu.memory_space<hbm>>) dst(%arg9 : memref<25600xf32, #tpu.memory_space<vmem>>)
    %get3A_656 = arith.constant 0 : i32
    %get3A_657 = arith.index_cast %get3A_656 : i32 to index
    %get3A_658 = arith.constant 0 : index
    %get3A_659 = tpu.vector_load %arg5[%get3A_657, %get3A_658] {strides = array<i32>} : memref<8x16xi32, #tpu.memory_space<vmem>>, vector<16xi32>,
    %get3A_660 = arith.constant 1 : i32
    %get3A_661 = arith.index_cast %get3A_660 : i32 to index
    %get3A_662 = arith.constant 0 : index
    %get3A_663 = tpu.vector_load %arg5[%get3A_661, %get3A_662] {strides = array<i32>} : memref<8x16xi32, #tpu.memory_space<vmem>>, vector<16xi32>,
    %get3A_664 = arith.constant 2 : i32
    %get3A_665 = arith.index_cast %get3A_664 : i32 to index
    %get3A_666 = arith.constant 0 : index
    %get3A_667 = tpu.vector_load %arg5[%get3A_665, %get3A_666] {strides = array<i32>} : memref<8x16xi32, #tpu.memory_space<vmem>>, vector<16xi32>,
    %scan3A_668 = arith.constant 0 : i32
    %scan3A_669 = arith.constant 0 : i32
    %scan3A_670 = arith.constant 200 : i32
    %scan3A_671 = arith.addi %scan3A_669, %scan3A_670 : i32
    %scan3A_672 = arith.constant 1 : i32
    scf.for %scan3A_699 = %scan3A_669 to %scan3A_671 step %scan3A_672  : i32 {
      %mul3A_700 = arith.constant 128 : i32
      %mul3A_701 = arith.muli %scan3A_699, %mul3A_700 : i32
      %add3A_702 = vector.broadcast %mul3A_701 : i32 to vector<16xi32>
      %add3A_703 = arith.addi %get3A_659, %add3A_702 : vector<16xi32>
      %gather3A = tpu.vector_load_idx %arg9[%add3A_703] : memref<25600xf32, #tpu.memory_space<vmem>>[vector<16xi32>], vector<16xf32>,
      %add3A_704 = vector.broadcast %mul3A_701 : i32 to vector<16xi32>
      %add3A_705 = arith.addi %get3A_663, %add3A_704 : vector<16xi32>
      %gather3A_706 = tpu.vector_load_idx %arg9[%add3A_705] : memref<25600xf32, #tpu.memory_space<vmem>>[vector<16xi32>], vector<16xf32>,
      %add3A_707 = vector.broadcast %mul3A_701 : i32 to vector<16xi32>
      %add3A_708 = arith.addi %get3A_667, %add3A_707 : vector<16xi32>
      %gather3A_709 = tpu.vector_load_idx %arg9[%add3A_708] : memref<25600xf32, #tpu.memory_space<vmem>>[vector<16xi32>], vector<16xf32>,
      %add3A_710 = arith.constant 0 : i32
      %add3A_711 = arith.addi %mul3A_701, %add3A_710 : i32
      %get3A_712 = arith.index_cast %add3A_711 : i32 to index
      %get3A_713 = tpu.vector_load %arg9[%get3A_712] {strides = array<i32>} : memref<25600xf32, #tpu.memory_space<vmem>>, vector<16xf32>,
      %sub3A = arith.subf %gather3A, %get3A_713 : vector<16xf32>
      %mul3A_714 = arith.constant 5.000000e-01 : f32
      %mul3A_715 = vector.broadcast %mul3A_714 : f32 to vector<16xf32>
      %mul3A_716 = arith.mulf %sub3A, %mul3A_715 : vector<16xf32>
      %add3A_717 = arith.addf %get3A_713, %mul3A_716 : vector<16xf32>
      %swap3A = arith.index_cast %add3A_711 : i32 to index
      %swap3A_718 = tpu.vector_load %arg9[%swap3A] {strides = array<i32>} : memref<25600xf32, #tpu.memory_space<vmem>>, vector<16xf32>,
      tpu.vector_store %arg9[%swap3A], %add3A_717 {strides = array<i32>} : memref<25600xf32, #tpu.memory_space<vmem>>, vector<16xf32>,
      %add3A_719 = arith.constant 16 : i32
      %add3A_720 = arith.addi %mul3A_701, %add3A_719 : i32
      %get3A_721 = arith.index_cast %add3A_720 : i32 to index
      %get3A_722 = tpu.vector_load %arg9[%get3A_721] {strides = array<i32>} : memref<25600xf32, #tpu.memory_space<vmem>>, vector<16xf32>,
      %sub3A_723 = arith.subf %gather3A_706, %get3A_722 : vector<16xf32>
      %mul3A_724 = arith.constant 5.000000e-01 : f32
      %mul3A_725 = vector.broadcast %mul3A_724 : f32 to vector<16xf32>
      %mul3A_726 = arith.mulf %sub3A_723, %mul3A_725 : vector<16xf32>
      %add3A_727 = arith.addf %get3A_722, %mul3A_726 : vector<16xf32>
      %swap3A_728 = arith.index_cast %add3A_720 : i32 to index
      %swap3A_729 = tpu.vector_load %arg9[%swap3A_728] {strides = array<i32>} : memref<25600xf32, #tpu.memory_space<vmem>>, vector<16xf32>,
      tpu.vector_store %arg9[%swap3A_728], %add3A_727 {strides = array<i32>} : memref<25600xf32, #tpu.memory_space<vmem>>, vector<16xf32>,
      %add3A_730 = arith.constant 32 : i32
      %add3A_731 = arith.addi %mul3A_701, %add3A_730 : i32
      %get3A_732 = arith.index_cast %add3A_731 : i32 to index
      %get3A_733 = tpu.vector_load %arg9[%get3A_732] {strides = array<i32>} : memref<25600xf32, #tpu.memory_space<vmem>>, vector<16xf32>,
      %sub3A_734 = arith.subf %gather3A_709, %get3A_733 : vector<16xf32>
      %mul3A_735 = arith.constant 5.000000e-01 : f32
      %mul3A_736 = vector.broadcast %mul3A_735 : f32 to vector<16xf32>
      %mul3A_737 = arith.mulf %sub3A_734, %mul3A_736 : vector<16xf32>
      %add3A_738 = arith.addf %get3A_733, %mul3A_737 : vector<16xf32>
      %swap3A_739 = arith.index_cast %add3A_731 : i32 to index
      %swap3A_740 = tpu.vector_load %arg9[%swap3A_739] {strides = array<i32>} : memref<25600xf32, #tpu.memory_space<vmem>>, vector<16xf32>,
      tpu.vector_store %arg9[%swap3A_739], %add3A_738 {strides = array<i32>} : memref<25600xf32, #tpu.memory_space<vmem>>, vector<16xf32>,
    }
    %scan3A_673 = arith.constant 200 : i32
    %add3A_674 = arith.constant 480 : i32
    %add3A_675 = arith.addi %add3A, %add3A_674 : i32
    %lt3A_676 = arith.constant 500 : i32
    %lt3A_677 = arith.cmpi slt, %add3A_675, %lt3A_676 : i32
    %select_n3A_678 = arith.select %lt3A_677, %add3A_675, %add3A : i32
    %mul3A_679 = arith.constant 25600 : i32
    %mul3A_680 = arith.muli %select_n3A_678, %mul3A_679 : i32
    %dma_start3A_681 = tpu.memref_slice %arg4[%mul3A_680] : memref<12800000xf32, #tpu.memory_space<hbm>> -> memref<25600xf32, #tpu.memory_space<hbm>>
    %dma_start3A_682 = tpu.memref_slice %arg4[%mul3A_680] : memref<12800000xf32, #tpu.memory_space<hbm>> -> memref<25600xf32, #tpu.memory_space<hbm>>
    tpu.enqueue_dma source(%arg9 : memref<25600xf32, #tpu.memory_space<vmem>>) target(%dma_start3A_682 : memref<25600xf32, #tpu.memory_space<hbm>>) target_semaphore(%arg17 : memref<!tpu.dma_semaphore, #tpu.memory_space<semaphore_mem>>)
    %dma_wait3A_683 = arith.constant 0 : i32
    %dma_wait3A_684 = tpu.memref_slice %arg4[%dma_wait3A_683] : memref<12800000xf32, #tpu.memory_space<hbm>> -> memref<25600xf32, #tpu.memory_space<hbm>>
    %dma_wait3A_685 = arith.constant 0 : i32
    %dma_wait3A_686 = tpu.memref_slice %arg4[%dma_wait3A_685] : memref<12800000xf32, #tpu.memory_space<hbm>> -> memref<25600xf32, #tpu.memory_space<hbm>>
    tpu.wait_dma2 semaphore(%arg14 : memref<!tpu.dma_semaphore, #tpu.memory_space<semaphore_mem>>) src(%arg6 : memref<25600xf32, #tpu.memory_space<vmem>>) dst(%dma_wait3A_686 : memref<25600xf32, #tpu.memory_space<hbm>>)
    %dma_wait3A_687 = arith.constant 0 : i32
    %dma_wait3A_688 = tpu.memref_slice %arg4[%dma_wait3A_687] : memref<12800000xf32, #tpu.memory_space<hbm>> -> memref<25600xf32, #tpu.memory_space<hbm>>
    %dma_wait3A_689 = arith.constant 0 : i32
    %dma_wait3A_690 = tpu.memref_slice %arg4[%dma_wait3A_689] : memref<12800000xf32, #tpu.memory_space<hbm>> -> memref<25600xf32, #tpu.memory_space<hbm>>
    tpu.wait_dma2 semaphore(%arg15 : memref<!tpu.dma_semaphore, #tpu.memory_space<semaphore_mem>>) src(%arg7 : memref<25600xf32, #tpu.memory_space<vmem>>) dst(%dma_wait3A_690 : memref<25600xf32, #tpu.memory_space<hbm>>)
    %dma_wait3A_691 = arith.constant 0 : i32
    %dma_wait3A_692 = tpu.memref_slice %arg4[%dma_wait3A_691] : memref<12800000xf32, #tpu.memory_space<hbm>> -> memref<25600xf32, #tpu.memory_space<hbm>>
    %dma_wait3A_693 = arith.constant 0 : i32
    %dma_wait3A_694 = tpu.memref_slice %arg4[%dma_wait3A_693] : memref<12800000xf32, #tpu.memory_space<hbm>> -> memref<25600xf32, #tpu.memory_space<hbm>>
    tpu.wait_dma2 semaphore(%arg16 : memref<!tpu.dma_semaphore, #tpu.memory_space<semaphore_mem>>) src(%arg8 : memref<25600xf32, #tpu.memory_space<vmem>>) dst(%dma_wait3A_694 : memref<25600xf32, #tpu.memory_space<hbm>>)
    %dma_wait3A_695 = arith.constant 0 : i32
    %dma_wait3A_696 = tpu.memref_slice %arg4[%dma_wait3A_695] : memref<12800000xf32, #tpu.memory_space<hbm>> -> memref<25600xf32, #tpu.memory_space<hbm>>
    %dma_wait3A_697 = arith.constant 0 : i32
    %dma_wait3A_698 = tpu.memref_slice %arg4[%dma_wait3A_697] : memref<12800000xf32, #tpu.memory_space<hbm>> -> memref<25600xf32, #tpu.memory_space<hbm>>
    tpu.wait_dma2 semaphore(%arg17 : memref<!tpu.dma_semaphore, #tpu.memory_space<semaphore_mem>>) src(%arg9 : memref<25600xf32, #tpu.memory_space<vmem>>) dst(%dma_wait3A_698 : memref<25600xf32, #tpu.memory_space<hbm>>)
    return
  }
}

</mosaic_0001>

<sc_bundles>
// kernel: kernel.3.cloned.1.call-start
scs
__scs_entry_jumppad:
0x0: {  	(pc) =	sbr.rel $0x88, $3  }
0x1: {  	(tag) =	ssettag $0x0;
	lr =	simm.s32 $0x1  }
0x2: {  	[smem:$0x3FA0] =	sst lr;
	_ =	strace $0xD0000000  }
0x3: {  	_ = 	snop  }
0x4: {  	_ = 	snop  }
0x5: {  	_ = 	snop  }
0x6: {  	_ = 	snop  }
0x7: {  	_ = 	snop  }
__scs_overlays_trampoline_lowered:
0x8: {  	[smem:$0x3FAF] =	sst s0  }
0x9: {  	[smem:$0x3FB0] =	sst s1  }
0xa: {  	[smem:$0x3FB1] =	sst s2  }
0xb: {  	[smem:$0x3FB2] =	sst s3  }
0xc: {  	[smem:$0x3FB3] =	sst s4  }
0xd: {  	[smem:$0x3FB4] =	sst s5  }
0xe: {  	[smem:$0x3FB5] =	sst s6  }
0xf: {  	[smem:$0x3FB6] =	sst s7  }
0x10: {  	[smem:$0x3FB7] =	sst s8  }
0x11: {  	[smem:$0x3FB8] =	sst s9;
	s0 =	simm.s32 @!p0 $0x0  }
0x12: {  	s1 =	sld [smem:$0x3F9E];
	s0 =	simm.s32 @p0 $0x1  }
0x13: {  	[smem:$0x3FB9] =	sst s0;
	s0 =	simm.s32 @!p1 $0x0  }
0x14: {  	s2 =	sld [smem:$0x3F9D];
	s0 =	simm.s32 @p1 $0x1  }
0x15: {  	[smem:$0x3FBA] =	sst s0;
	s0 =	simm.s32 @!p2 $0x0  }
0x16: {  	s3 =	sld [smem:$0x3FDB];
	s0 =	simm.s32 @p2 $0x1  }
0x17: {  	s4 =	simm.s32 $0x1BF5;
	[smem:$0x3FBC] =	sst s0  }
0x18: {  	s0 =	sld [smem:$0x3F9F];
	_ =	swait.ge [sflag:s4], $0x0  }
0x19: {  	s7 =	sld [smem:$0x3FA0]  }
0x1a: {  	s8 =	sadd.s32 $0xFFFFE003, lr  }
0x1b: {  	s9 =	sadd.s32 $0xFFFFFEF7, lr;
	s5 =	simm.s32 $0xFFFFFFFF;
	p2 =	slt.u32 s8, $0xFFFFF086  }
0x1c: {  	p1 =	slt.u32 s9, $0xF7A;
	s5 =	simm.s32 @!p2 $0x0  }
0x1d: {  	s5 =	simm.s32 @p1 $0x1;
	p0 =	seq.s32 s7, s2  }
0x1e: {  	s7 =	smul.u32 @!p0 $0xF7A, s2;
	p2 =	seq.s32 @!p0 s5, $0x0  }
0x1f: {  	s9 =	smul.u32 $0xF7A, s1;
	s8 =	simm.s32 @!p0 $0x1BF5;
	p2 =	por !p2, p0  }
0x20: {  	[sflag:s8] =	ssyncset.s32 @!p0 $0xFFFFF086;
	s6 =	sadd.s32 @!p0 s3, s7;
	s7 =	simm.s32 @!p0 $0x108  }
0x21: {  	s3 =	sadd.s32 s3, s9;
	s6 =	sadd.s32 @!p0 $0x88, s6;
	s7 =	simm.s32 @p2 $0x1082  }
0x22: {  	[simem:s7], [sflag:s8] =	dma.local @!p0 [hbm:s6], $0xF7A  }
0x23: {  	s9 =	sor.u32 $0xD0000000, s2;
	s6 =	simm.s32 $0x108;
	_ =	swait.ge @!p0 [sflag:s8], $0x0  }
0x24: {  	s3 =	sadd.s32 $0x88, s3;
	s6 =	simm.s32 @!p1 $0x1082;
	[sflag:s4] =	ssyncset.s32 $0xFFFFF086  }
0x25: {  	[simem:s6], [sflag:s4] =	dma.local [hbm:s3], $0xF7A  }
0x26: {  	[smem:$0x3FA0] =	sst s1;
	(tag) =	ssettag s2;
	_ =	strace s9  }
0x27: {  	s1 =	sld [smem:$0x3FB0]  }
0x28: {  	s2 =	sld [smem:$0x3FB1]  }
0x29: {  	s4 =	sld [smem:$0x3FB3]  }
0x2a: {  	p0 =	seq.s32 s5, $0x0;
	s5 =	sld [smem:$0x3FB4]  }
0x2b: {  	s6 =	sld [smem:$0x3FB5]  }
0x2c: {  	s7 =	sld [smem:$0x3FB6]  }
0x2d: {  	s3 =	simm.s32 $0x108;
	s8 =	sld [smem:$0x3FB7]  }
0x2e: {  	s3 =	simm.s32 @!p0 $0x1082;
	s9 =	sld [smem:$0x3FB8]  }
0x2f: {  	lr =	sadd.s32 s0, s3;
	s0 =	sld [smem:$0x3FAF]  }
0x30: {  	s3 =	sld [smem:$0x3FB2]  }
0x31: {  	[smem:$0x3FBB] =	sst s10  }
0x32: {  	s10 =	sld [smem:$0x3FB9];
	_ =	sdelay $0x3  }
0x33: {  	p0 =	seq.s32 s10, $0x1;
	s10 =	sld [smem:$0x3FBB];
	_ =	sdelay $0x3  }
0x34: {  	[smem:$0x3FBB] =	sst s10  }
0x35: {  	s10 =	sld [smem:$0x3FBA];
	_ =	sdelay $0x3  }
0x36: {  	p1 =	seq.s32 s10, $0x1;
	s10 =	sld [smem:$0x3FBB];
	_ =	sdelay $0x3  }
0x37: {  	[smem:$0x3FBB] =	sst s10  }
0x38: {  	s10 =	sld [smem:$0x3FBC]  }
0x39: {  	_ = 	snop;
	(pc) =	sbr.ind lr, $3  }
0x3a: {  	_ = 	snop  }
0x3b: {  	_ = 	snop  }
0x3c: {  	p2 =	seq.s32 s10, $0x1;
	s10 =	sld [smem:$0x3FBB]  }
0x3d: {  	_ =	shalt  }
0x3e: {  	_ =	shalt  }
0x3f: {  	_ =	shalt  }
0x40: {  	_ =	shalt  }
0x41: {  	_ =	shalt  }
0x42: {  	_ =	shalt  }
0x43: {  	_ =	shalt  }
0x44: {  	_ =	shalt  }
0x45: {  	_ =	shalt  }
0x46: {  	_ =	shalt  }
0x47: {  	_ =	shalt  }
0x48: {  	_ =	shalt  }
0x49: {  	_ =	shalt  }
0x4a: {  	_ =	shalt  }
0x4b: {  	_ =	shalt  }
0x4c: {  	_ =	shalt  }
0x4d: {  	_ =	shalt  }
0x4e: {  	_ =	shalt  }
0x4f: {  	_ =	shalt  }
0x50: {  	_ =	shalt  }
0x51: {  	_ =	shalt  }
0x52: {  	_ =	shalt  }
0x53: {  	_ =	shalt  }
0x54: {  	_ =	shalt  }
0x55: {  	_ =	shalt  }
0x56: {  	_ =	shalt  }
0x57: {  	_ =	shalt  }
0x58: {  	_ =	shalt  }
0x59: {  	_ =	shalt  }
0x5a: {  	_ =	shalt  }
0x5b: {  	_ =	shalt  }
0x5c: {  	_ =	shalt  }
0x5d: {  	_ =	shalt  }
0x5e: {  	_ =	shalt  }
0x5f: {  	_ =	shalt  }
0x60: {  	_ =	shalt  }
0x61: {  	_ =	shalt  }
0x62: {  	_ =	shalt  }
0x63: {  	_ =	shalt  }
0x64: {  	_ =	shalt  }
0x65: {  	_ =	shalt  }
0x66: {  	_ =	shalt  }
0x67: {  	_ =	shalt  }
0x68: {  	_ =	shalt  }
0x69: {  	_ =	shalt  }
0x6a: {  	_ =	shalt  }
0x6b: {  	_ =	shalt  }
0x6c: {  	_ =	shalt  }
0x6d: {  	_ =	shalt  }
0x6e: {  	_ =	shalt  }
0x6f: {  	_ =	shalt  }
0x70: {  	_ =	shalt  }
0x71: {  	_ =	shalt  }
0x72: {  	_ =	shalt  }
0x73: {  	_ =	shalt  }
0x74: {  	_ =	shalt  }
0x75: {  	_ =	shalt  }
0x76: {  	_ =	shalt  }
0x77: {  	_ =	shalt  }
0x78: {  	_ =	shalt  }
0x79: {  	_ =	shalt  }
0x7a: {  	_ =	shalt  }
0x7b: {  	_ =	shalt  }
0x7c: {  	_ =	shalt  }
0x7d: {  	_ =	shalt  }
0x7e: {  	_ =	shalt  }
0x7f: {  	_ =	shalt  }
0x80: {  	_ =	shalt  }
0x81: {  	_ =	shalt  }
0x82: {  	_ =	shalt  }
0x83: {  	_ =	shalt  }
0x84: {  	_ =	shalt  }
0x85: {  	_ =	shalt  }
0x86: {  	_ =	shalt  }
0x87: {  	_ =	shalt  }
.Lfunc_end0:
.L_simem_size_0:
called_computation_lowered:
.L_overlay_start_0:
0x88: {  	s2 =	sld [smem:$0x3FD9]  }
0x89: {  	s3 =	sld [smem:$0x3FFE];
	_ =	sdelay $0x1  }
0x8a: {  	s1 =	srdreg.scid  }
0x8b: {  	s0 =	sand.u32 $0x1, s1  }
0x8c: {  	s17 =	sshll.u32 s0, $0xA;
	s2 =	sadd.s32 s3, s2  }
0x8d: {  	s2 =	sadd.s32 s2, s17  }
0x8e: {  	[smem:$0x3FC7] =	sst s2  }
0x8f: {  	_ = 	snop  }
0x90: {  	s2 =	sld [smem:$0x3FC9]  }
0x91: {  	s18 =	sld [smem:$0x3FD0];
	(tm) =	ssettm $0x1  }
0x92: {  	s4 =	sld [smem:$0x3FFB];
	_ =	sdelay $0x3  }
0x93: {  	_ =	strace s4  }
0x94: {  	s4 =	sld [smem:$0x3FFC];
	_ =	sdelay $0x3  }
0x95: {  	_ =	strace s4  }
0x96: {  	s4 =	sld [smem:$0x3FFD];
	_ =	sdelay $0x3  }
0x97: {  	_ =	strace s4  }
0x98: {  	_ =	strace $0x8FFFFFFF  }
0x99: {  	s19 =	sld [smem:$0x3FDB];
	_ =	sdelay $0x1  }
0x9a: {  	s5 =	simm.s32 $_scs_section_size  }
0x9b: {  	s6 =	simm.s32 $_size__tile_overlayer_lowered;
	s7 =	simm.s32 $_tile_overlayer_lowered  }
0x9c: {  	s22 =	simm.s32 $0x1BFF;
	s21 =	sshll.u32 s7, $0x1;
	s4 =	sadd.s32 s5, s19  }
0x9d: {  	s8 =	simm.s32 $0x0;
	s20 =	sshll.u32 s6, $0x1;
	s6 =	sadd.s32 s21, s4  }
0x9e: {  	[timem:s8], [sflag:s22] =	dma.local [hbm:s6], s20  }
0x9f: {  	_ =	swait.ge [sflag:s22], s20  }
0xa0: {  	s5 =	ssub.s32 $0x0, s20;
	[sflag:s22] =	ssyncset.done $0x0  }
0xa1: {  	[sflag:s22] =	ssyncadd.s32 s5;
	_ =	sdelay $0x1  }
0xa2: {  	s23 =	simm.s32 $0x1B8B  }
0xa3: {  	_ =	swait.ge [sflag:s23], $0x1  }
0xa4: {  	[sflag:s23] =	ssyncset.done $0x0  }
0xa5: {  	s25 =	simm.s32 $0x1B8E;
	s24 =	sld [smem:$0x3FFE];
	[sflag:s23] =	ssyncadd.s32 $0xFFFFFFFF  }
0xa6: {  	s26 =	simm.s32 $execute0_lowered;
	[smem:$0x3FD2] =	sst s25  }
0xa7: {  	s6 =	sshll.u32 s26, $0x1;
	_ =	strace $0x80000046;
	[dreg:$0x1] =	wrdreg $0xFFFFFFFF  }
0xa8: {  	s28 =	simm.s32 $_size_execute0_lowered;
	s4 =	sadd.s32 s4, s6;
	[dreg:$0x0] =	wrdreg $0x0  }
0xa9: {  	s6 =	sshll.u32 s28, $0x1;
	[dreg:$0x2] =	wrdreg s4  }
0xaa: {  	[dreg:$0x3] =	wrdreg s6  }
0xab: {  	[dreg:$0x4] =	wrdreg $0xC0  }
0xac: {  	_ =	task [dreg:s8], $0x5FFFF  }
0xad: {  	[dreg:$0x1] =	wrdreg $0xFFFFFFFF  }
0xae: {  	[dreg:$0x0] =	wrdreg $0x60  }
0xaf: {  	[dreg:$0x2] =	wrdreg s2  }
0xb0: {  	[dreg:$0x3] =	wrdreg s24  }
0xb1: {  	[dreg:$0x4] =	wrdreg s18  }
0xb2: {  	[dreg:$0x5] =	wrdreg $0x9  }
0xb3: {  	_ =	task.clear_ibuf [dreg:s8], $0x6FFFF;
	_ =	strace $0x90000046  }
0xb4: {  	s29 =	simm.s32 $0x9;
	_ =	strace $0x80000048  }
0xb5: {  	_ =	swait.ge [sflag:s29], $0x1  }
0xb6: {  	[sflag:s29] =	ssyncadd.s32 $0xFFFFFFFF  }
0xb7: {  	_ =	strace $0x90000048  }
0xb8: {  	_ =	sfence  }
0xb9: {  	s30 =	sld [smem:$0x0];
	_ =	sdelay $0x2  }
0xba: {  	s31 =	sshll.u32 s1, $0xD;
	s1 =	sshrl.u32 s1, $0x2  }
0xbb: {  	s3 =	sand.u32 $0x4000, s31;
	s1 =	sadd.s32 s1, s30  }
0xbc: {  	s0 =	sor.u32 s3, s0;
	s1 =	sshll.u32 s1, $0x11  }
0xbd: {  	s0 =	sor.u32 s1, s0  }
0xbe: {  	s0 =	sadd.s32 $0x8F2B, s0  }
0xbf: {  	[sflag:s0] =	ssyncadd.remote.s32 $0x1  }
0xc0: {  	_ =	sfence.sel $0xFFFF  }
0xc1: {  	[dreg:$0x0] =	wrdreg $0xFFFFFFFF;
	(pc) =	sbr.abs _section_cstart, $3  }
0xc2: {  	[dreg:$0x1] =	wrdreg $0xFFFFFFFF  }
0xc3: {  	_ =	task.clear_ibuf [dreg:s8], $0x2FFFF;
	_ =	strace $0x9FFFFFFF  }
0xc4: {  	(tm) =	ssettm $0x7FFFFFFF  }
0xc5: {  	_ =	shalt  }
tec
execute0_lowered:
.L_overlay_start_1:
0x0: {  	(tag) =	ssettag $0x1  }
0x1: {  	s0 =	srdreg.scid;
	s10 =	stileid.u32  }
0x2: {  	s0 =	sand.u32 $0x1, s0;
	s1 =	sshll.u32 s10, $0x1  }
0x3: {  	s2 =	rddreg [dreg:$0x0];
	s3 =	sor.u32 s0, s1  }
0x4: {  	s4 =	rddreg [dreg:$0x2];
	p0 =	slt.u32 s10, $0xA;
	s5 =	smul.u32 $0x6400, s3  }
0x5: {  	s0 =	ssub.s32 $0x2, s0;
	s1 =	simm.s32 $0x0;
	s7 =	smul.u32 $0xC80, s3  }
0x6: {  	s10 =	simm.s32 $0x1;
	s6 =	sshrl.u32 s0, $0x1;
	[smem:$0x7FF] =	sst s1  }
0x7: {  	s6 =	ssub.s32 s0, s6;
	s0 =	sshrl.u32 s5, $0x3;
	s14 =	sadd.s32 s2, s7  }
0x8: {  	s7 =	sadd.s32 s4, s7;
	[dreg:$0x4] =	wrdreg s14;
	s15 =	sadd.s32 $0x19000, s0  }
0x9: {  	s8 =	sadd.s32 $0x32000, s0;
	[dreg:$0x7] =	wrdreg s7;
	s9 =	sadd.s32 s2, s15  }
0xa: {  	s17 =	sadd.s32 $0x4B000, s0;
	s16 =	sadd.s32 s2, s8;
	[dreg:$0x5] =	wrdreg s9  }
0xb: {  	s19 =	sadd.s32 $0x64000, s0;
	s18 =	sadd.s32 s2, s17;
	[dreg:$0x6] =	wrdreg s16  }
0xc: {  	s21 =	sadd.s32 $0x7D000, s0;
	s5 =	sadd.s32 s4, s15;
	[dreg:$0x8] =	wrdreg s18  }
0xd: {  	s23 =	sadd.s32 $0x96000, s0;
	s20 =	sadd.s32 s2, s19;
	[dreg:$0x9] =	wrdreg s5  }
0xe: {  	s25 =	sadd.s32 $0xAF000, s0;
	s8 =	sadd.s32 s4, s8;
	[dreg:$0xa] =	wrdreg s20  }
0xf: {  	s11 =	sadd.s32 $0xC8000, s0;
	s22 =	sadd.s32 s2, s21;
	[dreg:$0xb] =	wrdreg s8  }
0x10: {  	s13 =	sadd.s32 $0xE1000, s0;
	s24 =	sadd.s32 s2, s23;
	[dreg:$0xc] =	wrdreg s22  }
0x11: {  	s7 =	sadd.s32 s4, s19;
	s26 =	sadd.s32 s2, s25;
	[dreg:$0xe] =	wrdreg s24  }
0x12: {  	s12 =	sadd.s32 s2, s11;
	s14 =	sadd.s32 s4, s25;
	[dreg:$0xf] =	wrdreg s7  }
0x13: {  	s15 =	sadd.s32 s2, s13;
	s19 =	sadd.s32 $0x113000, s0;
	[dreg:$0x10] =	wrdreg s26  }
0x14: {  	s9 =	sadd.s32 s4, s17;
	s5 =	sadd.s32 s4, s21;
	[dreg:$0x12] =	wrdreg s12  }
0x15: {  	s7 =	sor.u32 $0x1E0, s3;
	s8 =	sadd.s32 s4, s23;
	[dreg:$0x14] =	wrdreg s14  }
0x16: {  	[dreg:$0x16] =	wrdreg s15;
	s16 =	sadd.s32 s4, s13;
	s17 =	sadd.s32 $0xFA000, s0  }
0x17: {  	s24 =	sadd.s32 s2, s19;
	s25 =	sadd.s32 s4, s19;
	s20 =	sadd.s32 $0x12C000, s0  }
0x18: {  	s21 =	sadd.s32 $0x145000, s0;
	s22 =	sadd.s32 $0x15E000, s0;
	s23 =	rddreg [dreg:$0x1]  }
0x19: {  	s12 =	simm.s32 $0x2;
	s13 =	simm.s32 $0x5;
	[dreg:$0xd] =	wrdreg s9  }
0x1a: {  	s14 =	simm.s32 $0x3;
	s15 =	simm.s32 $0x6;
	[dreg:$0x11] =	wrdreg s5  }
0x1b: {  	s19 =	simm.s32 $0x0;
	[dreg:$0x13] =	wrdreg s8;
	s3 =	smov.u32 @p0 s7  }
0x1c: {  	s5 =	sadd.s32 s4, s11;
	[dreg:$0x17] =	wrdreg s16;
	s18 =	sadd.s32 s2, s17  }
0x1d: {  	s26 =	sadd.s32 s2, s20;
	s28 =	sadd.s32 s4, s20;
	s30 =	sadd.s32 s2, s21  }
0x1e: {  	s31 =	sadd.s32 s2, s22;
	s0 =	sadd.s32 s4, s21;
	s7 =	simm.s32 $0x400  }
0x1f: {  	s8 =	simm.s32 $0x6800;
	s9 =	simm.s32 $0xCC00;
	[dreg:$0x15] =	wrdreg s5  }
0x20: {  	s11 =	simm.s32 $0x13000;
	s16 =	simm.s32 $0x4;
	[dreg:$0x18] =	wrdreg s18  }
0x21: {  	s5 =	sadd.s32 s4, s17;
	s3 =	smul.u32 $0xC80, s3;
	s17 =	simm.s32 $0x7  }
0x22: {  	s18 =	simm.s32 $0x8;
	[dreg:$0x19] =	wrdreg s5;
	s5 =	smax.u32 s6, $0x1  }
0x23: {  	s6 =	simm.s32 $0x9;
	s29 =	sadd.s32 s2, s3;
	s2 =	sadd.s32 s4, s22  }
0x24: {  	s3 =	sadd.s32 s4, s3;
	_ =	strace $0x80000047;
	s4 =	sadd.s32 $0x400, s23  }
.LBB2_1:
0x25: {  	[tilespmem:s1], [sflag:$0x9] =	stream.linear.gather [hbm4b:s4+s1], $0x400, $0x38;
	[tilespmem:$0x19400] =	vst v63  }
0x26: {  	_ =	swait.ge [sflag:s6], $0x400  }
0x27: {  	[sflag:s6] =	ssyncset.done $0x0  }
0x28: {  	s20 =	rddreg [dreg:$0x4];
	[sflag:s6] =	ssyncadd.s32 $0xFFFFFC00  }
0x29: {  	[tilespmem:s7], [sflag:$0x1] =	stream.linear.gather [hbm4b:s20+s1], $0x6400, $0x38;
	[tilespmem:$0x19400] =	vst v63  }
0x2a: {  	s22 =	rddreg [dreg:$0x5]  }
0x2b: {  	[tilespmem:s8], [sflag:$0x2] =	stream.linear.gather [hbm4b:s22+s1], $0x6400, $0x38;
	[tilespmem:$0x19400] =	vst v63  }
0x2c: {  	s23 =	rddreg [dreg:$0x6]  }
0x2d: {  	[tilespmem:s9], [sflag:$0x3] =	stream.linear.gather [hbm4b:s23+s1], $0x6400, $0x38;
	[tilespmem:$0x19400] =	vst v63  }
0x2e: {  	_ =	swait.ge [sflag:s10], $0x6400  }
0x2f: {  	[sflag:s10] =	ssyncset.done $0x0  }
0x30: {  	[sflag:s10] =	ssyncadd.s32 $0xFFFF9C00  }
0x31: {  	v4 =	vld [tilespmem:$0x100]  }
0x32: {  	v3 =	vld [tilespmem:$0x80]  }
0x33: {  	v5 =	vld [tilespmem:$0x0];
	_ =	sdelay $0x1  }
0x34: {  	s20 =	simm.s32 $0x420  }
0x35: {  	v0 =	vld [tilespmem:s20+$0xFFFFFFF0]  }
0x36: {  	v1 =	vld [tilespmem:s20+$0x0]  }
0x37: {  	v7 =	vld [tilespmem:s20+$0xFFFFFFE0]  }
0x38: {  	v8 =	vld.idx.msk [tilespmem:v4+s7+$0x0], $0xffff  }
0x39: {  	v9 =	vld.idx.msk [tilespmem:v3+s7+$0x0], $0xffff  }
0x3a: {  	v2 =	vadd.s32 $0x80, v5;
	v3 =	vadd.s32 $0x80, v3;
	v4 =	vadd.s32 $0x80, v4;
	v10 =	vld.idx.msk [tilespmem:v5+s7+$0x0], $0xffff  }
0x3b: {  	s21 =	simm.s32 $0x80;
	s22 =	simm.s32 $0x4A0;
	v11 =	vadd.s32 s1, v2;
	v5 =	vadd.s32 s1, v3;
	v6 =	vadd.s32 s1, v4  }
.LBB2_2:
0x3c: {  	p0 =	sne.s32 s21, $0x6380;
	v12 =	vmov v11;
	s23 =	smov.u32 s21;
	s21 =	sadd.s32 $0x80, s21  }
0x3d: {  	v8 =	vsub.f32 v8, v1;
	v11 =	vld [tilespmem:s22+$0xFFFFFFF0]  }
0x3e: {  	v9 =	vsub.f32 v9, v0  }
0x3f: {  	v8 =	vmul.f32 $5.000000000e-01, v8;
	v10 =	vsub.f32 v10, v7  }
0x40: {  	v9 =	vmul.f32 $5.000000000e-01, v9  }
0x41: {  	v1 =	vadd.f32 v8, v1;
	v10 =	vmul.f32 $5.000000000e-01, v10  }
0x42: {  	v8 =	vadd.f32 v9, v0;
	v0 =	vmov v11  }
0x43: {  	v7 =	vadd.f32 v10, v7;
	[tilespmem:s20+$0x0] =	vst v1  }
0x44: {  	[tilespmem:s20+$0xFFFFFFF0] =	vst v8  }
0x45: {  	v1 =	vld [tilespmem:s22+$0x0];
	[tilespmem:s20+$0xFFFFFFE0] =	vst v7;
	s20 =	smov.u32 s22  }
.Ltmp0:
0x46: {  	v8 =	vld.idx.msk [tilespmem:v6+s7+$0x0], $0xffff;
	(pc) =	sbr.rel @p0 .LBB2_2-.Ltmp0, $4  }
0x47: {  	v11 =	vadd.s32 s23, v2;
	v6 =	vadd.s32 s23, v4;
	v9 =	vld.idx.msk [tilespmem:v5+s7+$0x0], $0xffff;
	v5 =	vadd.s32 s23, v3  }
0x48: {  	v10 =	vld.idx.msk [tilespmem:v12+s7+$0x0], $0xffff  }
0x49: {  	v7 =	vld [tilespmem:s22+$0xFFFFFFE0]  }
0x4a: {  	s22 =	sadd.s32 $0x80, s22  }
0x4b: {  	_ = 	snop  }
0x4c: {  	v2 =	vsub.f32 v8, v1  }
0x4d: {  	v3 =	vsub.f32 v9, v0  }
0x4e: {  	v2 =	vmul.f32 $5.000000000e-01, v2;
	v4 =	vsub.f32 v10, v7  }
0x4f: {  	v3 =	vmul.f32 $5.000000000e-01, v3  }
0x50: {  	v1 =	vadd.f32 v2, v1;
	v4 =	vmul.f32 $5.000000000e-01, v4  }
0x51: {  	v0 =	vadd.f32 v3, v0  }
0x52: {  	[tilespmem:s20+$0x0] =	vst v1;
	v2 =	vadd.f32 v4, v7  }
0x53: {  	[tilespmem:s20+$0xFFFFFFF0] =	vst v0  }
0x54: {  	s22 =	simm.s32 $0x0;
	s21 =	rddreg [dreg:$0x7];
	[tilespmem:s20+$0xFFFFFFE0] =	vst v2  }
0x55: {  	[hbm4b:s21+s22] =	stream.linear.scatter [tilespmem:s7], [sflag:$0x5], $0x6400, $0x38;
	[tilespmem:$0x19400] =	vst v63  }
0x56: {  	s23 =	rddreg [dreg:$0x8]  }
0x57: {  	[tilespmem:s11], [sflag:$0x4] =	stream.linear.gather [hbm4b:s23+s22], $0x6400, $0x38;
	[tilespmem:$0x19400] =	vst v63  }
0x58: {  	_ =	swait.ge [sflag:s12], $0x6400  }
0x59: {  	[sflag:s12] =	ssyncset.done $0x0  }
0x5a: {  	[sflag:s12] =	ssyncadd.s32 $0xFFFF9C00  }
0x5b: {  	v4 =	vld [tilespmem:$0x100]  }
0x5c: {  	v3 =	vld [tilespmem:$0x80]  }
0x5d: {  	v5 =	vld [tilespmem:$0x0];
	_ =	sdelay $0x1  }
0x5e: {  	s20 =	simm.s32 $0x6820  }
0x5f: {  	v0 =	vld [tilespmem:s20+$0xFFFFFFF0]  }
0x60: {  	v1 =	vld [tilespmem:s20+$0x0]  }
0x61: {  	v7 =	vld [tilespmem:s20+$0xFFFFFFE0]  }
0x62: {  	v8 =	vld.idx.msk [tilespmem:v4+s8+$0x0], $0xffff  }
0x63: {  	v9 =	vld.idx.msk [tilespmem:v3+s8+$0x0], $0xffff  }
0x64: {  	v2 =	vadd.s32 $0x80, v5;
	v3 =	vadd.s32 $0x80, v3;
	v4 =	vadd.s32 $0x80, v4;
	v10 =	vld.idx.msk [tilespmem:v5+s8+$0x0], $0xffff  }
0x65: {  	s21 =	simm.s32 $0x80;
	v11 =	vadd.s32 s22, v2;
	v5 =	vadd.s32 s22, v3;
	v6 =	vadd.s32 s22, v4;
	s22 =	simm.s32 $0x68A0  }
.LBB2_4:
0x66: {  	p0 =	sne.s32 s21, $0x6380;
	v12 =	vmov v11;
	s23 =	smov.u32 s21;
	s21 =	sadd.s32 $0x80, s21  }
0x67: {  	v8 =	vsub.f32 v8, v1;
	v11 =	vld [tilespmem:s22+$0xFFFFFFF0]  }
0x68: {  	v9 =	vsub.f32 v9, v0  }
0x69: {  	v8 =	vmul.f32 $5.000000000e-01, v8;
	v10 =	vsub.f32 v10, v7  }
0x6a: {  	v9 =	vmul.f32 $5.000000000e-01, v9  }
0x6b: {  	v1 =	vadd.f32 v8, v1;
	v10 =	vmul.f32 $5.000000000e-01, v10  }
0x6c: {  	v8 =	vadd.f32 v9, v0;
	v0 =	vmov v11  }
0x6d: {  	v7 =	vadd.f32 v10, v7;
	[tilespmem:s20+$0x0] =	vst v1  }
0x6e: {  	[tilespmem:s20+$0xFFFFFFF0] =	vst v8  }
0x6f: {  	v1 =	vld [tilespmem:s22+$0x0];
	[tilespmem:s20+$0xFFFFFFE0] =	vst v7;
	s20 =	smov.u32 s22  }
.Ltmp1:
0x70: {  	v8 =	vld.idx.msk [tilespmem:v6+s8+$0x0], $0xffff;
	(pc) =	sbr.rel @p0 .LBB2_4-.Ltmp1, $4  }
0x71: {  	v11 =	vadd.s32 s23, v2;
	v6 =	vadd.s32 s23, v4;
	v9 =	vld.idx.msk [tilespmem:v5+s8+$0x0], $0xffff;
	v5 =	vadd.s32 s23, v3  }
0x72: {  	v10 =	vld.idx.msk [tilespmem:v12+s8+$0x0], $0xffff  }
0x73: {  	v7 =	vld [tilespmem:s22+$0xFFFFFFE0]  }
0x74: {  	s22 =	sadd.s32 $0x80, s22  }
0x75: {  	_ = 	snop  }
0x76: {  	v2 =	vsub.f32 v8, v1  }
0x77: {  	v3 =	vsub.f32 v9, v0  }
0x78: {  	v2 =	vmul.f32 $5.000000000e-01, v2;
	v4 =	vsub.f32 v10, v7  }
0x79: {  	v3 =	vmul.f32 $5.000000000e-01, v3  }
0x7a: {  	v1 =	vadd.f32 v2, v1;
	v4 =	vmul.f32 $5.000000000e-01, v4  }
0x7b: {  	v0 =	vadd.f32 v3, v0  }
0x7c: {  	[tilespmem:s20+$0x0] =	vst v1;
	v2 =	vadd.f32 v4, v7  }
0x7d: {  	[tilespmem:s20+$0xFFFFFFF0] =	vst v0  }
0x7e: {  	s22 =	simm.s32 $0x0;
	s21 =	rddreg [dreg:$0x9];
	[tilespmem:s20+$0xFFFFFFE0] =	vst v2  }
0x7f: {  	[hbm4b:s21+s22] =	stream.linear.scatter [tilespmem:s8], [sflag:$0x6], $0x6400, $0x38;
	[tilespmem:$0x19400] =	vst v63  }
0x80: {  	_ =	swait.ge [sflag:s13], $0x6400  }
0x81: {  	[sflag:s13] =	ssyncset.done $0x0  }
0x82: {  	s23 =	rddreg [dreg:$0xa];
	[sflag:s13] =	ssyncadd.s32 $0xFFFF9C00  }
0x83: {  	[tilespmem:s7], [sflag:$0x1] =	stream.linear.gather [hbm4b:s23+s22], $0x6400, $0x38;
	[tilespmem:$0x19400] =	vst v63  }
0x84: {  	_ =	swait.ge [sflag:s14], $0x6400  }
0x85: {  	[sflag:s14] =	ssyncset.done $0x0  }
0x86: {  	[sflag:s14] =	ssyncadd.s32 $0xFFFF9C00  }
0x87: {  	v4 =	vld [tilespmem:$0x100]  }
0x88: {  	v3 =	vld [tilespmem:$0x80]  }
0x89: {  	v5 =	vld [tilespmem:$0x0];
	_ =	sdelay $0x1  }
0x8a: {  	s20 =	simm.s32 $0xCC20  }
0x8b: {  	v0 =	vld [tilespmem:s20+$0xFFFFFFF0]  }
0x8c: {  	v1 =	vld [tilespmem:s20+$0x0]  }
0x8d: {  	v7 =	vld [tilespmem:s20+$0xFFFFFFE0]  }
0x8e: {  	v8 =	vld.idx.msk [tilespmem:v4+s9+$0x0], $0xffff  }
0x8f: {  	v9 =	vld.idx.msk [tilespmem:v3+s9+$0x0], $0xffff  }
0x90: {  	v2 =	vadd.s32 $0x80, v5;
	v3 =	vadd.s32 $0x80, v3;
	v4 =	vadd.s32 $0x80, v4;
	v10 =	vld.idx.msk [tilespmem:v5+s9+$0x0], $0xffff  }
0x91: {  	s21 =	simm.s32 $0x80;
	v11 =	vadd.s32 s22, v2;
	v5 =	vadd.s32 s22, v3;
	v6 =	vadd.s32 s22, v4;
	s22 =	simm.s32 $0xCCA0  }
.LBB2_6:
0x92: {  	p0 =	sne.s32 s21, $0x6380;
	v12 =	vmov v11;
	s23 =	smov.u32 s21;
	s21 =	sadd.s32 $0x80, s21  }
0x93: {  	v8 =	vsub.f32 v8, v1;
	v11 =	vld [tilespmem:s22+$0xFFFFFFF0]  }
0x94: {  	v9 =	vsub.f32 v9, v0  }
0x95: {  	v8 =	vmul.f32 $5.000000000e-01, v8;
	v10 =	vsub.f32 v10, v7  }
0x96: {  	v9 =	vmul.f32 $5.000000000e-01, v9  }
0x97: {  	v1 =	vadd.f32 v8, v1;
	v10 =	vmul.f32 $5.000000000e-01, v10  }
0x98: {  	v8 =	vadd.f32 v9, v0;
	v0 =	vmov v11  }
0x99: {  	v7 =	vadd.f32 v10, v7;
	[tilespmem:s20+$0x0] =	vst v1  }
0x9a: {  	[tilespmem:s20+$0xFFFFFFF0] =	vst v8  }
0x9b: {  	v1 =	vld [tilespmem:s22+$0x0];
	[tilespmem:s20+$0xFFFFFFE0] =	vst v7;
	s20 =	smov.u32 s22  }
.Ltmp2:
0x9c: {  	v8 =	vld.idx.msk [tilespmem:v6+s9+$0x0], $0xffff;
	(pc) =	sbr.rel @p0 .LBB2_6-.Ltmp2, $4  }
0x9d: {  	v11 =	vadd.s32 s23, v2;
	v6 =	vadd.s32 s23, v4;
	v9 =	vld.idx.msk [tilespmem:v5+s9+$0x0], $0xffff;
	v5 =	vadd.s32 s23, v3  }
0x9e: {  	v10 =	vld.idx.msk [tilespmem:v12+s9+$0x0], $0xffff  }
0x9f: {  	v7 =	vld [tilespmem:s22+$0xFFFFFFE0]  }
0xa0: {  	s22 =	sadd.s32 $0x80, s22  }
0xa1: {  	_ = 	snop  }
0xa2: {  	v2 =	vsub.f32 v8, v1  }
0xa3: {  	v3 =	vsub.f32 v9, v0  }
0xa4: {  	v2 =	vmul.f32 $5.000000000e-01, v2;
	v4 =	vsub.f32 v10, v7  }
0xa5: {  	v3 =	vmul.f32 $5.000000000e-01, v3  }
0xa6: {  	v1 =	vadd.f32 v2, v1;
	v4 =	vmul.f32 $5.000000000e-01, v4  }
0xa7: {  	v0 =	vadd.f32 v3, v0  }
0xa8: {  	[tilespmem:s20+$0x0] =	vst v1;
	v2 =	vadd.f32 v4, v7  }
0xa9: {  	[tilespmem:s20+$0xFFFFFFF0] =	vst v0  }
0xaa: {  	s22 =	simm.s32 $0x0;
	s21 =	rddreg [dreg:$0xb];
	[tilespmem:s20+$0xFFFFFFE0] =	vst v2  }
0xab: {  	[hbm4b:s21+s22] =	stream.linear.scatter [tilespmem:s9], [sflag:$0x7], $0x6400, $0x38;
	[tilespmem:$0x19400] =	vst v63  }
0xac: {  	_ =	swait.ge [sflag:s15], $0x6400  }
0xad: {  	[sflag:s15] =	ssyncset.done $0x0  }
0xae: {  	s23 =	rddreg [dreg:$0xc];
	[sflag:s15] =	ssyncadd.s32 $0xFFFF9C00  }
0xaf: {  	[tilespmem:s8], [sflag:$0x2] =	stream.linear.gather [hbm4b:s23+s22], $0x6400, $0x38;
	[tilespmem:$0x19400] =	vst v63  }
0xb0: {  	_ =	swait.ge [sflag:s16], $0x6400  }
0xb1: {  	[sflag:s16] =	ssyncset.done $0x0  }
0xb2: {  	[sflag:s16] =	ssyncadd.s32 $0xFFFF9C00  }
0xb3: {  	v4 =	vld [tilespmem:$0x100]  }
0xb4: {  	v3 =	vld [tilespmem:$0x80]  }
0xb5: {  	v5 =	vld [tilespmem:$0x0];
	_ =	sdelay $0x1  }
0xb6: {  	s20 =	simm.s32 $0x13020  }
0xb7: {  	v0 =	vld [tilespmem:s20+$0xFFFFFFF0]  }
0xb8: {  	v1 =	vld [tilespmem:s20+$0x0]  }
0xb9: {  	v7 =	vld [tilespmem:s20+$0xFFFFFFE0]  }
0xba: {  	v8 =	vld.idx.msk [tilespmem:v4+s11+$0x0], $0xffff  }
0xbb: {  	v9 =	vld.idx.msk [tilespmem:v3+s11+$0x0], $0xffff  }
0xbc: {  	v2 =	vadd.s32 $0x80, v5;
	v3 =	vadd.s32 $0x80, v3;
	v4 =	vadd.s32 $0x80, v4;
	v10 =	vld.idx.msk [tilespmem:v5+s11+$0x0], $0xffff  }
0xbd: {  	s21 =	simm.s32 $0x80;
	v11 =	vadd.s32 s22, v2;
	v5 =	vadd.s32 s22, v3;
	v6 =	vadd.s32 s22, v4;
	s22 =	simm.s32 $0x130A0  }
.LBB2_8:
0xbe: {  	p0 =	sne.s32 s21, $0x6380;
	v12 =	vmov v11;
	s23 =	smov.u32 s21;
	s21 =	sadd.s32 $0x80, s21  }
0xbf: {  	v8 =	vsub.f32 v8, v1;
	v11 =	vld [tilespmem:s22+$0xFFFFFFF0]  }
0xc0: {  	v9 =	vsub.f32 v9, v0  }
0xc1: {  	v8 =	vmul.f32 $5.000000000e-01, v8;
	v10 =	vsub.f32 v10, v7  }
0xc2: {  	v9 =	vmul.f32 $5.000000000e-01, v9  }
0xc3: {  	v1 =	vadd.f32 v8, v1;
	v10 =	vmul.f32 $5.000000000e-01, v10  }
0xc4: {  	v8 =	vadd.f32 v9, v0;
	v0 =	vmov v11  }
0xc5: {  	v7 =	vadd.f32 v10, v7;
	[tilespmem:s20+$0x0] =	vst v1  }
0xc6: {  	[tilespmem:s20+$0xFFFFFFF0] =	vst v8  }
0xc7: {  	v1 =	vld [tilespmem:s22+$0x0];
	[tilespmem:s20+$0xFFFFFFE0] =	vst v7;
	s20 =	smov.u32 s22  }
.Ltmp3:
0xc8: {  	v8 =	vld.idx.msk [tilespmem:v6+s11+$0x0], $0xffff;
	(pc) =	sbr.rel @p0 .LBB2_8-.Ltmp3, $4  }
0xc9: {  	v11 =	vadd.s32 s23, v2;
	v6 =	vadd.s32 s23, v4;
	v9 =	vld.idx.msk [tilespmem:v5+s11+$0x0], $0xffff;
	v5 =	vadd.s32 s23, v3  }
0xca: {  	v10 =	vld.idx.msk [tilespmem:v12+s11+$0x0], $0xffff  }
0xcb: {  	v7 =	vld [tilespmem:s22+$0xFFFFFFE0]  }
0xcc: {  	s22 =	sadd.s32 $0x80, s22  }
0xcd: {  	_ = 	snop  }
0xce: {  	v2 =	vsub.f32 v8, v1  }
0xcf: {  	v3 =	vsub.f32 v9, v0  }
0xd0: {  	v2 =	vmul.f32 $5.000000000e-01, v2;
	v4 =	vsub.f32 v10, v7  }
0xd1: {  	v3 =	vmul.f32 $5.000000000e-01, v3  }
0xd2: {  	v1 =	vadd.f32 v2, v1;
	v4 =	vmul.f32 $5.000000000e-01, v4  }
0xd3: {  	v0 =	vadd.f32 v3, v0  }
0xd4: {  	[tilespmem:s20+$0x0] =	vst v1;
	v2 =	vadd.f32 v4, v7  }
0xd5: {  	[tilespmem:s20+$0xFFFFFFF0] =	vst v0  }
0xd6: {  	s22 =	simm.s32 $0x0;
	s21 =	rddreg [dreg:$0xd];
	[tilespmem:s20+$0xFFFFFFE0] =	vst v2  }
0xd7: {  	[hbm4b:s21+s22] =	stream.linear.scatter [tilespmem:s11], [sflag:$0x8], $0x6400, $0x38;
	[tilespmem:$0x19400] =	vst v63  }
0xd8: {  	_ =	swait.ge [sflag:s17], $0x6400  }
0xd9: {  	[sflag:s17] =	ssyncset.done $0x0  }
0xda: {  	s23 =	rddreg [dreg:$0xe];
	[sflag:s17] =	ssyncadd.s32 $0xFFFF9C00  }
0xdb: {  	[tilespmem:s9], [sflag:$0x3] =	stream.linear.gather [hbm4b:s23+s22], $0x6400, $0x38;
	[tilespmem:$0x19400] =	vst v63  }
0xdc: {  	_ =	swait.ge [sflag:s10], $0x6400  }
0xdd: {  	[sflag:s10] =	ssyncset.done $0x0  }
0xde: {  	[sflag:s10] =	ssyncadd.s32 $0xFFFF9C00  }
0xdf: {  	v4 =	vld [tilespmem:$0x100]  }
0xe0: {  	v3 =	vld [tilespmem:$0x80]  }
0xe1: {  	v5 =	vld [tilespmem:$0x0];
	_ =	sdelay $0x1  }
0xe2: {  	s20 =	simm.s32 $0x420  }
0xe3: {  	v0 =	vld [tilespmem:s20+$0xFFFFFFF0]  }
0xe4: {  	v1 =	vld [tilespmem:s20+$0x0]  }
0xe5: {  	v7 =	vld [tilespmem:s20+$0xFFFFFFE0]  }
0xe6: {  	v8 =	vld.idx.msk [tilespmem:v4+s7+$0x0], $0xffff  }
0xe7: {  	v9 =	vld.idx.msk [tilespmem:v3+s7+$0x0], $0xffff  }
0xe8: {  	v2 =	vadd.s32 $0x80, v5;
	v3 =	vadd.s32 $0x80, v3;
	v4 =	vadd.s32 $0x80, v4;
	v10 =	vld.idx.msk [tilespmem:v5+s7+$0x0], $0xffff  }
0xe9: {  	s21 =	simm.s32 $0x80;
	v11 =	vadd.s32 s22, v2;
	v5 =	vadd.s32 s22, v3;
	v6 =	vadd.s32 s22, v4;
	s22 =	simm.s32 $0x4A0  }
.LBB2_10:
0xea: {  	p0 =	sne.s32 s21, $0x6380;
	v12 =	vmov v11;
	s23 =	smov.u32 s21;
	s21 =	sadd.s32 $0x80, s21  }
0xeb: {  	v8 =	vsub.f32 v8, v1;
	v11 =	vld [tilespmem:s22+$0xFFFFFFF0]  }
0xec: {  	v9 =	vsub.f32 v9, v0  }
0xed: {  	v8 =	vmul.f32 $5.000000000e-01, v8;
	v10 =	vsub.f32 v10, v7  }
0xee: {  	v9 =	vmul.f32 $5.000000000e-01, v9  }
0xef: {  	v1 =	vadd.f32 v8, v1;
	v10 =	vmul.f32 $5.000000000e-01, v10  }
0xf0: {  	v8 =	vadd.f32 v9, v0;
	v0 =	vmov v11  }
0xf1: {  	v7 =	vadd.f32 v10, v7;
	[tilespmem:s20+$0x0] =	vst v1  }
0xf2: {  	[tilespmem:s20+$0xFFFFFFF0] =	vst v8  }
0xf3: {  	v1 =	vld [tilespmem:s22+$0x0];
	[tilespmem:s20+$0xFFFFFFE0] =	vst v7;
	s20 =	smov.u32 s22  }
.Ltmp4:
0xf4: {  	v8 =	vld.idx.msk [tilespmem:v6+s7+$0x0], $0xffff;
	(pc) =	sbr.rel @p0 .LBB2_10-.Ltmp4, $4  }
0xf5: {  	v11 =	vadd.s32 s23, v2;
	v6 =	vadd.s32 s23, v4;
	v9 =	vld.idx.msk [tilespmem:v5+s7+$0x0], $0xffff;
	v5 =	vadd.s32 s23, v3  }
0xf6: {  	v10 =	vld.idx.msk [tilespmem:v12+s7+$0x0], $0xffff  }
0xf7: {  	v7 =	vld [tilespmem:s22+$0xFFFFFFE0]  }
0xf8: {  	s22 =	sadd.s32 $0x80, s22  }
0xf9: {  	_ = 	snop  }
0xfa: {  	v2 =	vsub.f32 v8, v1  }
0xfb: {  	v3 =	vsub.f32 v9, v0  }
0xfc: {  	v2 =	vmul.f32 $5.000000000e-01, v2;
	v4 =	vsub.f32 v10, v7  }
0xfd: {  	v3 =	vmul.f32 $5.000000000e-01, v3  }
0xfe: {  	v1 =	vadd.f32 v2, v1;
	v4 =	vmul.f32 $5.000000000e-01, v4  }
0xff: {  	v0 =	vadd.f32 v3, v0  }
0x100: {  	[tilespmem:s20+$0x0] =	vst v1;
	v2 =	vadd.f32 v4, v7  }
0x101: {  	[tilespmem:s20+$0xFFFFFFF0] =	vst v0  }
0x102: {  	s22 =	simm.s32 $0x0;
	s21 =	rddreg [dreg:$0xf];
	[tilespmem:s20+$0xFFFFFFE0] =	vst v2  }
0x103: {  	[hbm4b:s21+s22] =	stream.linear.scatter [tilespmem:s7], [sflag:$0x5], $0x6400, $0x38;
	[tilespmem:$0x19400] =	vst v63  }
0x104: {  	_ =	swait.ge [sflag:s18], $0x6400  }
0x105: {  	[sflag:s18] =	ssyncset.done $0x0  }
0x106: {  	s23 =	rddreg [dreg:$0x10];
	[sflag:s18] =	ssyncadd.s32 $0xFFFF9C00  }
0x107: {  	[tilespmem:s11], [sflag:$0x4] =	stream.linear.gather [hbm4b:s23+s22], $0x6400, $0x38;
	[tilespmem:$0x19400] =	vst v63  }
0x108: {  	_ =	swait.ge [sflag:s12], $0x6400  }
0x109: {  	[sflag:s12] =	ssyncset.done $0x0  }
0x10a: {  	[sflag:s12] =	ssyncadd.s32 $0xFFFF9C00  }
0x10b: {  	v4 =	vld [tilespmem:$0x100]  }
0x10c: {  	v3 =	vld [tilespmem:$0x80]  }
0x10d: {  	v5 =	vld [tilespmem:$0x0];
	_ =	sdelay $0x1  }
0x10e: {  	s20 =	simm.s32 $0x6820  }
0x10f: {  	v0 =	vld [tilespmem:s20+$0xFFFFFFF0]  }
0x110: {  	v1 =	vld [tilespmem:s20+$0x0]  }
0x111: {  	v7 =	vld [tilespmem:s20+$0xFFFFFFE0]  }
0x112: {  	v8 =	vld.idx.msk [tilespmem:v4+s8+$0x0], $0xffff  }
0x113: {  	v9 =	vld.idx.msk [tilespmem:v3+s8+$0x0], $0xffff  }
0x114: {  	v2 =	vadd.s32 $0x80, v5;
	v3 =	vadd.s32 $0x80, v3;
	v4 =	vadd.s32 $0x80, v4;
	v10 =	vld.idx.msk [tilespmem:v5+s8+$0x0], $0xffff  }
0x115: {  	s21 =	simm.s32 $0x80;
	v11 =	vadd.s32 s22, v2;
	v5 =	vadd.s32 s22, v3;
	v6 =	vadd.s32 s22, v4;
	s22 =	simm.s32 $0x68A0  }
.LBB2_12:
0x116: {  	p0 =	sne.s32 s21, $0x6380;
	v12 =	vmov v11;
	s23 =	smov.u32 s21;
	s21 =	sadd.s32 $0x80, s21  }
0x117: {  	v8 =	vsub.f32 v8, v1;
	v11 =	vld [tilespmem:s22+$0xFFFFFFF0]  }
0x118: {  	v9 =	vsub.f32 v9, v0  }
0x119: {  	v8 =	vmul.f32 $5.000000000e-01, v8;
	v10 =	vsub.f32 v10, v7  }
0x11a: {  	v9 =	vmul.f32 $5.000000000e-01, v9  }
0x11b: {  	v1 =	vadd.f32 v8, v1;
	v10 =	vmul.f32 $5.000000000e-01, v10  }
0x11c: {  	v8 =	vadd.f32 v9, v0;
	v0 =	vmov v11  }
0x11d: {  	v7 =	vadd.f32 v10, v7;
	[tilespmem:s20+$0x0] =	vst v1  }
0x11e: {  	[tilespmem:s20+$0xFFFFFFF0] =	vst v8  }
0x11f: {  	v1 =	vld [tilespmem:s22+$0x0];
	[tilespmem:s20+$0xFFFFFFE0] =	vst v7;
	s20 =	smov.u32 s22  }
.Ltmp5:
0x120: {  	v8 =	vld.idx.msk [tilespmem:v6+s8+$0x0], $0xffff;
	(pc) =	sbr.rel @p0 .LBB2_12-.Ltmp5, $4  }
0x121: {  	v11 =	vadd.s32 s23, v2;
	v6 =	vadd.s32 s23, v4;
	v9 =	vld.idx.msk [tilespmem:v5+s8+$0x0], $0xffff;
	v5 =	vadd.s32 s23, v3  }
0x122: {  	v10 =	vld.idx.msk [tilespmem:v12+s8+$0x0], $0xffff  }
0x123: {  	v7 =	vld [tilespmem:s22+$0xFFFFFFE0]  }
0x124: {  	s22 =	sadd.s32 $0x80, s22  }
0x125: {  	_ = 	snop  }
0x126: {  	v2 =	vsub.f32 v8, v1  }
0x127: {  	v3 =	vsub.f32 v9, v0  }
0x128: {  	v2 =	vmul.f32 $5.000000000e-01, v2;
	v4 =	vsub.f32 v10, v7  }
0x129: {  	v3 =	vmul.f32 $5.000000000e-01, v3  }
0x12a: {  	v1 =	vadd.f32 v2, v1;
	v4 =	vmul.f32 $5.000000000e-01, v4  }
0x12b: {  	v0 =	vadd.f32 v3, v0  }
0x12c: {  	[tilespmem:s20+$0x0] =	vst v1;
	v2 =	vadd.f32 v4, v7  }
0x12d: {  	[tilespmem:s20+$0xFFFFFFF0] =	vst v0  }
0x12e: {  	s22 =	simm.s32 $0x0;
	s21 =	rddreg [dreg:$0x11];
	[tilespmem:s20+$0xFFFFFFE0] =	vst v2  }
0x12f: {  	[hbm4b:s21+s22] =	stream.linear.scatter [tilespmem:s8], [sflag:$0x6], $0x6400, $0x38;
	[tilespmem:$0x19400] =	vst v63  }
0x130: {  	_ =	swait.ge [sflag:s13], $0x6400  }
0x131: {  	[sflag:s13] =	ssyncset.done $0x0  }
0x132: {  	s23 =	rddreg [dreg:$0x12];
	[sflag:s13] =	ssyncadd.s32 $0xFFFF9C00  }
0x133: {  	[tilespmem:s7], [sflag:$0x1] =	stream.linear.gather [hbm4b:s23+s22], $0x6400, $0x38;
	[tilespmem:$0x19400] =	vst v63  }
0x134: {  	_ =	swait.ge [sflag:s14], $0x6400  }
0x135: {  	[sflag:s14] =	ssyncset.done $0x0  }
0x136: {  	[sflag:s14] =	ssyncadd.s32 $0xFFFF9C00  }
0x137: {  	v4 =	vld [tilespmem:$0x100]  }
0x138: {  	v3 =	vld [tilespmem:$0x80]  }
0x139: {  	v5 =	vld [tilespmem:$0x0];
	_ =	sdelay $0x1  }
0x13a: {  	s20 =	simm.s32 $0xCC20  }
0x13b: {  	v0 =	vld [tilespmem:s20+$0xFFFFFFF0]  }
0x13c: {  	v1 =	vld [tilespmem:s20+$0x0]  }
0x13d: {  	v7 =	vld [tilespmem:s20+$0xFFFFFFE0]  }
0x13e: {  	v8 =	vld.idx.msk [tilespmem:v4+s9+$0x0], $0xffff  }
0x13f: {  	v9 =	vld.idx.msk [tilespmem:v3+s9+$0x0], $0xffff  }
0x140: {  	v2 =	vadd.s32 $0x80, v5;
	v3 =	vadd.s32 $0x80, v3;
	v4 =	vadd.s32 $0x80, v4;
	v10 =	vld.idx.msk [tilespmem:v5+s9+$0x0], $0xffff  }
0x141: {  	s21 =	simm.s32 $0x80;
	v11 =	vadd.s32 s22, v2;
	v5 =	vadd.s32 s22, v3;
	v6 =	vadd.s32 s22, v4;
	s22 =	simm.s32 $0xCCA0  }
.LBB2_14:
0x142: {  	p0 =	sne.s32 s21, $0x6380;
	v12 =	vmov v11;
	s23 =	smov.u32 s21;
	s21 =	sadd.s32 $0x80, s21  }
0x143: {  	v8 =	vsub.f32 v8, v1;
	v11 =	vld [tilespmem:s22+$0xFFFFFFF0]  }
0x144: {  	v9 =	vsub.f32 v9, v0  }
0x145: {  	v8 =	vmul.f32 $5.000000000e-01, v8;
	v10 =	vsub.f32 v10, v7  }
0x146: {  	v9 =	vmul.f32 $5.000000000e-01, v9  }
0x147: {  	v1 =	vadd.f32 v8, v1;
	v10 =	vmul.f32 $5.000000000e-01, v10  }
0x148: {  	v8 =	vadd.f32 v9, v0;
	v0 =	vmov v11  }
0x149: {  	v7 =	vadd.f32 v10, v7;
	[tilespmem:s20+$0x0] =	vst v1  }
0x14a: {  	[tilespmem:s20+$0xFFFFFFF0] =	vst v8  }
0x14b: {  	v1 =	vld [tilespmem:s22+$0x0];
	[tilespmem:s20+$0xFFFFFFE0] =	vst v7;
	s20 =	smov.u32 s22  }
.Ltmp6:
0x14c: {  	v8 =	vld.idx.msk [tilespmem:v6+s9+$0x0], $0xffff;
	(pc) =	sbr.rel @p0 .LBB2_14-.Ltmp6, $4  }
0x14d: {  	v11 =	vadd.s32 s23, v2;
	v6 =	vadd.s32 s23, v4;
	v9 =	vld.idx.msk [tilespmem:v5+s9+$0x0], $0xffff;
	v5 =	vadd.s32 s23, v3  }
0x14e: {  	v10 =	vld.idx.msk [tilespmem:v12+s9+$0x0], $0xffff  }
0x14f: {  	v7 =	vld [tilespmem:s22+$0xFFFFFFE0]  }
0x150: {  	s22 =	sadd.s32 $0x80, s22  }
0x151: {  	_ = 	snop  }
0x152: {  	v2 =	vsub.f32 v8, v1  }
0x153: {  	v3 =	vsub.f32 v9, v0  }
0x154: {  	v2 =	vmul.f32 $5.000000000e-01, v2;
	v4 =	vsub.f32 v10, v7  }
0x155: {  	v3 =	vmul.f32 $5.000000000e-01, v3  }
0x156: {  	v1 =	vadd.f32 v2, v1;
	v4 =	vmul.f32 $5.000000000e-01, v4  }
0x157: {  	v0 =	vadd.f32 v3, v0  }
0x158: {  	[tilespmem:s20+$0x0] =	vst v1;
	v2 =	vadd.f32 v4, v7  }
0x159: {  	[tilespmem:s20+$0xFFFFFFF0] =	vst v0  }
0x15a: {  	s22 =	simm.s32 $0x0;
	s21 =	rddreg [dreg:$0x13];
	[tilespmem:s20+$0xFFFFFFE0] =	vst v2  }
0x15b: {  	[hbm4b:s21+s22] =	stream.linear.scatter [tilespmem:s9], [sflag:$0x7], $0x6400, $0x38;
	[tilespmem:$0x19400] =	vst v63  }
0x15c: {  	_ =	swait.ge [sflag:s15], $0x6400  }
0x15d: {  	[sflag:s15] =	ssyncset.done $0x0  }
0x15e: {  	s23 =	rddreg [dreg:$0x16];
	[sflag:s15] =	ssyncadd.s32 $0xFFFF9C00  }
0x15f: {  	[tilespmem:s8], [sflag:$0x2] =	stream.linear.gather [hbm4b:s23+s22], $0x6400, $0x38;
	[tilespmem:$0x19400] =	vst v63  }
0x160: {  	_ =	swait.ge [sflag:s16], $0x6400  }
0x161: {  	[sflag:s16] =	ssyncset.done $0x0  }
0x162: {  	[sflag:s16] =	ssyncadd.s32 $0xFFFF9C00  }
0x163: {  	v4 =	vld [tilespmem:$0x100]  }
0x164: {  	v3 =	vld [tilespmem:$0x80]  }
0x165: {  	v5 =	vld [tilespmem:$0x0];
	_ =	sdelay $0x1  }
0x166: {  	s20 =	simm.s32 $0x13020  }
0x167: {  	v0 =	vld [tilespmem:s20+$0xFFFFFFF0]  }
0x168: {  	v1 =	vld [tilespmem:s20+$0x0]  }
0x169: {  	v7 =	vld [tilespmem:s20+$0xFFFFFFE0]  }
0x16a: {  	v8 =	vld.idx.msk [tilespmem:v4+s11+$0x0], $0xffff  }
0x16b: {  	v9 =	vld.idx.msk [tilespmem:v3+s11+$0x0], $0xffff  }
0x16c: {  	v2 =	vadd.s32 $0x80, v5;
	v3 =	vadd.s32 $0x80, v3;
	v4 =	vadd.s32 $0x80, v4;
	v10 =	vld.idx.msk [tilespmem:v5+s11+$0x0], $0xffff  }
0x16d: {  	s21 =	simm.s32 $0x80;
	v11 =	vadd.s32 s22, v2;
	v5 =	vadd.s32 s22, v3;
	v6 =	vadd.s32 s22, v4;
	s22 =	simm.s32 $0x130A0  }
.LBB2_16:
0x16e: {  	p0 =	sne.s32 s21, $0x6380;
	v12 =	vmov v11;
	s23 =	smov.u32 s21;
	s21 =	sadd.s32 $0x80, s21  }
0x16f: {  	v8 =	vsub.f32 v8, v1;
	v11 =	vld [tilespmem:s22+$0xFFFFFFF0]  }
0x170: {  	v9 =	vsub.f32 v9, v0  }
0x171: {  	v8 =	vmul.f32 $5.000000000e-01, v8;
	v10 =	vsub.f32 v10, v7  }
0x172: {  	v9 =	vmul.f32 $5.000000000e-01, v9  }
0x173: {  	v1 =	vadd.f32 v8, v1;
	v10 =	vmul.f32 $5.000000000e-01, v10  }
0x174: {  	v8 =	vadd.f32 v9, v0;
	v0 =	vmov v11  }
0x175: {  	v7 =	vadd.f32 v10, v7;
	[tilespmem:s20+$0x0] =	vst v1  }
0x176: {  	[tilespmem:s20+$0xFFFFFFF0] =	vst v8  }
0x177: {  	v1 =	vld [tilespmem:s22+$0x0];
	[tilespmem:s20+$0xFFFFFFE0] =	vst v7;
	s20 =	smov.u32 s22  }
.Ltmp7:
0x178: {  	v8 =	vld.idx.msk [tilespmem:v6+s11+$0x0], $0xffff;
	(pc) =	sbr.rel @p0 .LBB2_16-.Ltmp7, $4  }
0x179: {  	v11 =	vadd.s32 s23, v2;
	v6 =	vadd.s32 s23, v4;
	v9 =	vld.idx.msk [tilespmem:v5+s11+$0x0], $0xffff;
	v5 =	vadd.s32 s23, v3  }
0x17a: {  	v10 =	vld.idx.msk [tilespmem:v12+s11+$0x0], $0xffff  }
0x17b: {  	v7 =	vld [tilespmem:s22+$0xFFFFFFE0]  }
0x17c: {  	s22 =	sadd.s32 $0x80, s22  }
0x17d: {  	_ = 	snop  }
0x17e: {  	v2 =	vsub.f32 v8, v1  }
0x17f: {  	v3 =	vsub.f32 v9, v0  }
0x180: {  	v2 =	vmul.f32 $5.000000000e-01, v2;
	v4 =	vsub.f32 v10, v7  }
0x181: {  	v3 =	vmul.f32 $5.000000000e-01, v3  }
0x182: {  	v1 =	vadd.f32 v2, v1;
	v4 =	vmul.f32 $5.000000000e-01, v4  }
0x183: {  	v0 =	vadd.f32 v3, v0  }
0x184: {  	[tilespmem:s20+$0x0] =	vst v1;
	v2 =	vadd.f32 v4, v7  }
0x185: {  	[tilespmem:s20+$0xFFFFFFF0] =	vst v0  }
0x186: {  	s22 =	simm.s32 $0x0;
	s21 =	rddreg [dreg:$0x14];
	[tilespmem:s20+$0xFFFFFFE0] =	vst v2  }
0x187: {  	[hbm4b:s21+s22] =	stream.linear.scatter [tilespmem:s11], [sflag:$0x8], $0x6400, $0x38;
	[tilespmem:$0x19400] =	vst v63  }
0x188: {  	_ =	swait.ge [sflag:s17], $0x6400  }
0x189: {  	[sflag:s17] =	ssyncset.done $0x0  }
0x18a: {  	s23 =	rddreg [dreg:$0x18];
	[sflag:s17] =	ssyncadd.s32 $0xFFFF9C00  }
0x18b: {  	[tilespmem:s9], [sflag:$0x3] =	stream.linear.gather [hbm4b:s23+s22], $0x6400, $0x38;
	[tilespmem:$0x19400] =	vst v63  }
0x18c: {  	_ =	swait.ge [sflag:s10], $0x6400  }
0x18d: {  	[sflag:s10] =	ssyncset.done $0x0  }
0x18e: {  	[sflag:s10] =	ssyncadd.s32 $0xFFFF9C00  }
0x18f: {  	v4 =	vld [tilespmem:$0x100]  }
0x190: {  	v3 =	vld [tilespmem:$0x80]  }
0x191: {  	v5 =	vld [tilespmem:$0x0];
	_ =	sdelay $0x1  }
0x192: {  	s20 =	simm.s32 $0x420  }
0x193: {  	v0 =	vld [tilespmem:s20+$0xFFFFFFF0]  }
0x194: {  	v1 =	vld [tilespmem:s20+$0x0]  }
0x195: {  	v7 =	vld [tilespmem:s20+$0xFFFFFFE0]  }
0x196: {  	v8 =	vld.idx.msk [tilespmem:v4+s7+$0x0], $0xffff  }
0x197: {  	v9 =	vld.idx.msk [tilespmem:v3+s7+$0x0], $0xffff  }
0x198: {  	v2 =	vadd.s32 $0x80, v5;
	v3 =	vadd.s32 $0x80, v3;
	v4 =	vadd.s32 $0x80, v4;
	v10 =	vld.idx.msk [tilespmem:v5+s7+$0x0], $0xffff  }
0x199: {  	s21 =	simm.s32 $0x80;
	v11 =	vadd.s32 s22, v2;
	v5 =	vadd.s32 s22, v3;
	v6 =	vadd.s32 s22, v4;
	s22 =	simm.s32 $0x4A0  }
.LBB2_18:
0x19a: {  	p0 =	sne.s32 s21, $0x6380;
	v12 =	vmov v11;
	s23 =	smov.u32 s21;
	s21 =	sadd.s32 $0x80, s21  }
0x19b: {  	v8 =	vsub.f32 v8, v1;
	v11 =	vld [tilespmem:s22+$0xFFFFFFF0]  }
0x19c: {  	v9 =	vsub.f32 v9, v0  }
0x19d: {  	v8 =	vmul.f32 $5.000000000e-01, v8;
	v10 =	vsub.f32 v10, v7  }
0x19e: {  	v9 =	vmul.f32 $5.000000000e-01, v9  }
0x19f: {  	v1 =	vadd.f32 v8, v1;
	v10 =	vmul.f32 $5.000000000e-01, v10  }
0x1a0: {  	v8 =	vadd.f32 v9, v0;
	v0 =	vmov v11  }
0x1a1: {  	v7 =	vadd.f32 v10, v7;
	[tilespmem:s20+$0x0] =	vst v1  }
0x1a2: {  	[tilespmem:s20+$0xFFFFFFF0] =	vst v8  }
0x1a3: {  	v1 =	vld [tilespmem:s22+$0x0];
	[tilespmem:s20+$0xFFFFFFE0] =	vst v7;
	s20 =	smov.u32 s22  }
.Ltmp8:
0x1a4: {  	v8 =	vld.idx.msk [tilespmem:v6+s7+$0x0], $0xffff;
	(pc) =	sbr.rel @p0 .LBB2_18-.Ltmp8, $4  }
0x1a5: {  	v11 =	vadd.s32 s23, v2;
	v6 =	vadd.s32 s23, v4;
	v9 =	vld.idx.msk [tilespmem:v5+s7+$0x0], $0xffff;
	v5 =	vadd.s32 s23, v3  }
0x1a6: {  	v10 =	vld.idx.msk [tilespmem:v12+s7+$0x0], $0xffff  }
0x1a7: {  	v7 =	vld [tilespmem:s22+$0xFFFFFFE0]  }
0x1a8: {  	s22 =	sadd.s32 $0x80, s22  }
0x1a9: {  	_ = 	snop  }
0x1aa: {  	v2 =	vsub.f32 v8, v1  }
0x1ab: {  	v3 =	vsub.f32 v9, v0  }
0x1ac: {  	v2 =	vmul.f32 $5.000000000e-01, v2;
	v4 =	vsub.f32 v10, v7  }
0x1ad: {  	v3 =	vmul.f32 $5.000000000e-01, v3  }
0x1ae: {  	v1 =	vadd.f32 v2, v1;
	v4 =	vmul.f32 $5.000000000e-01, v4  }
0x1af: {  	v0 =	vadd.f32 v3, v0  }
0x1b0: {  	[tilespmem:s20+$0x0] =	vst v1;
	v2 =	vadd.f32 v4, v7  }
0x1b1: {  	[tilespmem:s20+$0xFFFFFFF0] =	vst v0  }
0x1b2: {  	s22 =	simm.s32 $0x0;
	s23 =	rddreg [dreg:$0x15];
	[tilespmem:s20+$0xFFFFFFE0] =	vst v2  }
0x1b3: {  	[hbm4b:s23+s22] =	stream.linear.scatter [tilespmem:s7], [sflag:$0x5], $0x6400, $0x38;
	[tilespmem:$0x19400] =	vst v63  }
0x1b4: {  	_ =	swait.ge [sflag:s18], $0x6400  }
0x1b5: {  	[sflag:s18] =	ssyncset.done $0x0  }
0x1b6: {  	[sflag:s18] =	ssyncadd.s32 $0xFFFF9C00  }
0x1b7: {  	[tilespmem:s11], [sflag:$0x4] =	stream.linear.gather [hbm4b:s24+s22], $0x6400, $0x38;
	[tilespmem:$0x19400] =	vst v63  }
0x1b8: {  	_ =	swait.ge [sflag:s12], $0x6400  }
0x1b9: {  	[sflag:s12] =	ssyncset.done $0x0  }
0x1ba: {  	[sflag:s12] =	ssyncadd.s32 $0xFFFF9C00  }
0x1bb: {  	v4 =	vld [tilespmem:$0x100]  }
0x1bc: {  	v3 =	vld [tilespmem:$0x80]  }
0x1bd: {  	v5 =	vld [tilespmem:$0x0];
	_ =	sdelay $0x1  }
0x1be: {  	s20 =	simm.s32 $0x6820  }
0x1bf: {  	v0 =	vld [tilespmem:s20+$0xFFFFFFF0]  }
0x1c0: {  	v1 =	vld [tilespmem:s20+$0x0]  }
0x1c1: {  	v7 =	vld [tilespmem:s20+$0xFFFFFFE0]  }
0x1c2: {  	v8 =	vld.idx.msk [tilespmem:v4+s8+$0x0], $0xffff  }
0x1c3: {  	v9 =	vld.idx.msk [tilespmem:v3+s8+$0x0], $0xffff  }
0x1c4: {  	v2 =	vadd.s32 $0x80, v5;
	v3 =	vadd.s32 $0x80, v3;
	v4 =	vadd.s32 $0x80, v4;
	v10 =	vld.idx.msk [tilespmem:v5+s8+$0x0], $0xffff  }
0x1c5: {  	s21 =	simm.s32 $0x80;
	v11 =	vadd.s32 s22, v2;
	v5 =	vadd.s32 s22, v3;
	v6 =	vadd.s32 s22, v4;
	s22 =	simm.s32 $0x68A0  }
.LBB2_20:
0x1c6: {  	p0 =	sne.s32 s21, $0x6380;
	v12 =	vmov v11;
	s23 =	smov.u32 s21;
	s21 =	sadd.s32 $0x80, s21  }
0x1c7: {  	v8 =	vsub.f32 v8, v1;
	v11 =	vld [tilespmem:s22+$0xFFFFFFF0]  }
0x1c8: {  	v9 =	vsub.f32 v9, v0  }
0x1c9: {  	v8 =	vmul.f32 $5.000000000e-01, v8;
	v10 =	vsub.f32 v10, v7  }
0x1ca: {  	v9 =	vmul.f32 $5.000000000e-01, v9  }
0x1cb: {  	v1 =	vadd.f32 v8, v1;
	v10 =	vmul.f32 $5.000000000e-01, v10  }
0x1cc: {  	v8 =	vadd.f32 v9, v0;
	v0 =	vmov v11  }
0x1cd: {  	v7 =	vadd.f32 v10, v7;
	[tilespmem:s20+$0x0] =	vst v1  }
0x1ce: {  	[tilespmem:s20+$0xFFFFFFF0] =	vst v8  }
0x1cf: {  	v1 =	vld [tilespmem:s22+$0x0];
	[tilespmem:s20+$0xFFFFFFE0] =	vst v7;
	s20 =	smov.u32 s22  }
.Ltmp9:
0x1d0: {  	v8 =	vld.idx.msk [tilespmem:v6+s8+$0x0], $0xffff;
	(pc) =	sbr.rel @p0 .LBB2_20-.Ltmp9, $4  }
0x1d1: {  	v11 =	vadd.s32 s23, v2;
	v6 =	vadd.s32 s23, v4;
	v9 =	vld.idx.msk [tilespmem:v5+s8+$0x0], $0xffff;
	v5 =	vadd.s32 s23, v3  }
0x1d2: {  	v10 =	vld.idx.msk [tilespmem:v12+s8+$0x0], $0xffff  }
0x1d3: {  	v7 =	vld [tilespmem:s22+$0xFFFFFFE0]  }
0x1d4: {  	s22 =	sadd.s32 $0x80, s22  }
0x1d5: {  	_ = 	snop  }
0x1d6: {  	v2 =	vsub.f32 v8, v1  }
0x1d7: {  	v3 =	vsub.f32 v9, v0  }
0x1d8: {  	v2 =	vmul.f32 $5.000000000e-01, v2;
	v4 =	vsub.f32 v10, v7  }
0x1d9: {  	v3 =	vmul.f32 $5.000000000e-01, v3  }
0x1da: {  	v1 =	vadd.f32 v2, v1;
	v4 =	vmul.f32 $5.000000000e-01, v4  }
0x1db: {  	v0 =	vadd.f32 v3, v0  }
0x1dc: {  	[tilespmem:s20+$0x0] =	vst v1;
	v2 =	vadd.f32 v4, v7  }
0x1dd: {  	[tilespmem:s20+$0xFFFFFFF0] =	vst v0  }
0x1de: {  	s22 =	simm.s32 $0x0;
	s23 =	rddreg [dreg:$0x17];
	[tilespmem:s20+$0xFFFFFFE0] =	vst v2  }
0x1df: {  	[hbm4b:s23+s22] =	stream.linear.scatter [tilespmem:s8], [sflag:$0x6], $0x6400, $0x38;
	[tilespmem:$0x19400] =	vst v63  }
0x1e0: {  	_ =	swait.ge [sflag:s13], $0x6400  }
0x1e1: {  	[sflag:s13] =	ssyncset.done $0x0  }
0x1e2: {  	[sflag:s13] =	ssyncadd.s32 $0xFFFF9C00  }
0x1e3: {  	[tilespmem:s7], [sflag:$0x1] =	stream.linear.gather [hbm4b:s26+s22], $0x6400, $0x38;
	[tilespmem:$0x19400] =	vst v63  }
0x1e4: {  	_ =	swait.ge [sflag:s14], $0x6400  }
0x1e5: {  	[sflag:s14] =	ssyncset.done $0x0  }
0x1e6: {  	[sflag:s14] =	ssyncadd.s32 $0xFFFF9C00  }
0x1e7: {  	v4 =	vld [tilespmem:$0x100]  }
0x1e8: {  	v3 =	vld [tilespmem:$0x80]  }
0x1e9: {  	v5 =	vld [tilespmem:$0x0];
	_ =	sdelay $0x1  }
0x1ea: {  	s20 =	simm.s32 $0xCC20  }
0x1eb: {  	v0 =	vld [tilespmem:s20+$0xFFFFFFF0]  }
0x1ec: {  	v1 =	vld [tilespmem:s20+$0x0]  }
0x1ed: {  	v7 =	vld [tilespmem:s20+$0xFFFFFFE0]  }
0x1ee: {  	v8 =	vld.idx.msk [tilespmem:v4+s9+$0x0], $0xffff  }
0x1ef: {  	v9 =	vld.idx.msk [tilespmem:v3+s9+$0x0], $0xffff  }
0x1f0: {  	v2 =	vadd.s32 $0x80, v5;
	v3 =	vadd.s32 $0x80, v3;
	v4 =	vadd.s32 $0x80, v4;
	v10 =	vld.idx.msk [tilespmem:v5+s9+$0x0], $0xffff  }
0x1f1: {  	s21 =	simm.s32 $0x80;
	v11 =	vadd.s32 s22, v2;
	v5 =	vadd.s32 s22, v3;
	v6 =	vadd.s32 s22, v4;
	s22 =	simm.s32 $0xCCA0  }
.LBB2_22:
0x1f2: {  	p0 =	sne.s32 s21, $0x6380;
	v12 =	vmov v11;
	s23 =	smov.u32 s21;
	s21 =	sadd.s32 $0x80, s21  }
0x1f3: {  	v8 =	vsub.f32 v8, v1;
	v11 =	vld [tilespmem:s22+$0xFFFFFFF0]  }
0x1f4: {  	v9 =	vsub.f32 v9, v0  }
0x1f5: {  	v8 =	vmul.f32 $5.000000000e-01, v8;
	v10 =	vsub.f32 v10, v7  }
0x1f6: {  	v9 =	vmul.f32 $5.000000000e-01, v9  }
0x1f7: {  	v1 =	vadd.f32 v8, v1;
	v10 =	vmul.f32 $5.000000000e-01, v10  }
0x1f8: {  	v8 =	vadd.f32 v9, v0;
	v0 =	vmov v11  }
0x1f9: {  	v7 =	vadd.f32 v10, v7;
	[tilespmem:s20+$0x0] =	vst v1  }
0x1fa: {  	[tilespmem:s20+$0xFFFFFFF0] =	vst v8  }
0x1fb: {  	v1 =	vld [tilespmem:s22+$0x0];
	[tilespmem:s20+$0xFFFFFFE0] =	vst v7;
	s20 =	smov.u32 s22  }
.Ltmp10:
0x1fc: {  	v8 =	vld.idx.msk [tilespmem:v6+s9+$0x0], $0xffff;
	(pc) =	sbr.rel @p0 .LBB2_22-.Ltmp10, $4  }
0x1fd: {  	v11 =	vadd.s32 s23, v2;
	v6 =	vadd.s32 s23, v4;
	v9 =	vld.idx.msk [tilespmem:v5+s9+$0x0], $0xffff;
	v5 =	vadd.s32 s23, v3  }
0x1fe: {  	v10 =	vld.idx.msk [tilespmem:v12+s9+$0x0], $0xffff  }
0x1ff: {  	v7 =	vld [tilespmem:s22+$0xFFFFFFE0]  }
0x200: {  	s22 =	sadd.s32 $0x80, s22  }
0x201: {  	_ = 	snop  }
0x202: {  	v2 =	vsub.f32 v8, v1  }
0x203: {  	v3 =	vsub.f32 v9, v0  }
0x204: {  	v2 =	vmul.f32 $5.000000000e-01, v2;
	v4 =	vsub.f32 v10, v7  }
0x205: {  	v3 =	vmul.f32 $5.000000000e-01, v3  }
0x206: {  	v1 =	vadd.f32 v2, v1;
	v4 =	vmul.f32 $5.000000000e-01, v4  }
0x207: {  	v0 =	vadd.f32 v3, v0  }
0x208: {  	[tilespmem:s20+$0x0] =	vst v1;
	v2 =	vadd.f32 v4, v7  }
0x209: {  	[tilespmem:s20+$0xFFFFFFF0] =	vst v0  }
0x20a: {  	s22 =	simm.s32 $0x0;
	s23 =	rddreg [dreg:$0x19];
	[tilespmem:s20+$0xFFFFFFE0] =	vst v2  }
0x20b: {  	[hbm4b:s23+s22] =	stream.linear.scatter [tilespmem:s9], [sflag:$0x7], $0x6400, $0x38;
	[tilespmem:$0x19400] =	vst v63  }
0x20c: {  	_ =	swait.ge [sflag:s15], $0x6400  }
0x20d: {  	[sflag:s15] =	ssyncset.done $0x0  }
0x20e: {  	[sflag:s15] =	ssyncadd.s32 $0xFFFF9C00  }
0x20f: {  	[tilespmem:s8], [sflag:$0x2] =	stream.linear.gather [hbm4b:s30+s22], $0x6400, $0x38;
	[tilespmem:$0x19400] =	vst v63  }
0x210: {  	_ =	swait.ge [sflag:s16], $0x6400  }
0x211: {  	[sflag:s16] =	ssyncset.done $0x0  }
0x212: {  	[sflag:s16] =	ssyncadd.s32 $0xFFFF9C00  }
0x213: {  	v4 =	vld [tilespmem:$0x100]  }
0x214: {  	v3 =	vld [tilespmem:$0x80]  }
0x215: {  	v5 =	vld [tilespmem:$0x0];
	_ =	sdelay $0x1  }
0x216: {  	s20 =	simm.s32 $0x13020  }
0x217: {  	v0 =	vld [tilespmem:s20+$0xFFFFFFF0]  }
0x218: {  	v1 =	vld [tilespmem:s20+$0x0]  }
0x219: {  	v7 =	vld [tilespmem:s20+$0xFFFFFFE0]  }
0x21a: {  	v8 =	vld.idx.msk [tilespmem:v4+s11+$0x0], $0xffff  }
0x21b: {  	v9 =	vld.idx.msk [tilespmem:v3+s11+$0x0], $0xffff  }
0x21c: {  	v2 =	vadd.s32 $0x80, v5;
	v3 =	vadd.s32 $0x80, v3;
	v4 =	vadd.s32 $0x80, v4;
	v10 =	vld.idx.msk [tilespmem:v5+s11+$0x0], $0xffff  }
0x21d: {  	s21 =	simm.s32 $0x80;
	v11 =	vadd.s32 s22, v2;
	v5 =	vadd.s32 s22, v3;
	v6 =	vadd.s32 s22, v4;
	s22 =	simm.s32 $0x130A0  }
.LBB2_24:
0x21e: {  	p0 =	sne.s32 s21, $0x6380;
	v12 =	vmov v11;
	s23 =	smov.u32 s21;
	s21 =	sadd.s32 $0x80, s21  }
0x21f: {  	v8 =	vsub.f32 v8, v1;
	v11 =	vld [tilespmem:s22+$0xFFFFFFF0]  }
0x220: {  	v9 =	vsub.f32 v9, v0  }
0x221: {  	v8 =	vmul.f32 $5.000000000e-01, v8;
	v10 =	vsub.f32 v10, v7  }
0x222: {  	v9 =	vmul.f32 $5.000000000e-01, v9  }
0x223: {  	v1 =	vadd.f32 v8, v1;
	v10 =	vmul.f32 $5.000000000e-01, v10  }
0x224: {  	v8 =	vadd.f32 v9, v0;
	v0 =	vmov v11  }
0x225: {  	v7 =	vadd.f32 v10, v7;
	[tilespmem:s20+$0x0] =	vst v1  }
0x226: {  	[tilespmem:s20+$0xFFFFFFF0] =	vst v8  }
0x227: {  	v1 =	vld [tilespmem:s22+$0x0];
	[tilespmem:s20+$0xFFFFFFE0] =	vst v7;
	s20 =	smov.u32 s22  }
.Ltmp11:
0x228: {  	v8 =	vld.idx.msk [tilespmem:v6+s11+$0x0], $0xffff;
	(pc) =	sbr.rel @p0 .LBB2_24-.Ltmp11, $4  }
0x229: {  	v11 =	vadd.s32 s23, v2;
	v6 =	vadd.s32 s23, v4;
	v9 =	vld.idx.msk [tilespmem:v5+s11+$0x0], $0xffff;
	v5 =	vadd.s32 s23, v3  }
0x22a: {  	v10 =	vld.idx.msk [tilespmem:v12+s11+$0x0], $0xffff  }
0x22b: {  	v7 =	vld [tilespmem:s22+$0xFFFFFFE0]  }
0x22c: {  	s22 =	sadd.s32 $0x80, s22  }
0x22d: {  	_ = 	snop  }
0x22e: {  	v2 =	vsub.f32 v8, v1  }
0x22f: {  	v3 =	vsub.f32 v9, v0  }
0x230: {  	v2 =	vmul.f32 $5.000000000e-01, v2;
	v4 =	vsub.f32 v10, v7  }
0x231: {  	v3 =	vmul.f32 $5.000000000e-01, v3  }
0x232: {  	v1 =	vadd.f32 v2, v1;
	v4 =	vmul.f32 $5.000000000e-01, v4  }
0x233: {  	v0 =	vadd.f32 v3, v0  }
0x234: {  	[tilespmem:s20+$0x0] =	vst v1;
	v2 =	vadd.f32 v4, v7  }
0x235: {  	[tilespmem:s20+$0xFFFFFFF0] =	vst v0  }
0x236: {  	s22 =	simm.s32 $0x0;
	[tilespmem:s20+$0xFFFFFFE0] =	vst v2  }
0x237: {  	[hbm4b:s25+s22] =	stream.linear.scatter [tilespmem:s11], [sflag:$0x8], $0x6400, $0x38;
	[tilespmem:$0x19400] =	vst v63  }
0x238: {  	_ =	swait.ge [sflag:s17], $0x6400  }
0x239: {  	[sflag:s17] =	ssyncset.done $0x0  }
0x23a: {  	[sflag:s17] =	ssyncadd.s32 $0xFFFF9C00  }
0x23b: {  	[tilespmem:s9], [sflag:$0x3] =	stream.linear.gather [hbm4b:s31+s22], $0x6400, $0x38;
	[tilespmem:$0x19400] =	vst v63  }
0x23c: {  	_ =	swait.ge [sflag:s10], $0x6400  }
0x23d: {  	[sflag:s10] =	ssyncset.done $0x0  }
0x23e: {  	[sflag:s10] =	ssyncadd.s32 $0xFFFF9C00  }
0x23f: {  	v4 =	vld [tilespmem:$0x100]  }
0x240: {  	v3 =	vld [tilespmem:$0x80]  }
0x241: {  	v5 =	vld [tilespmem:$0x0];
	_ =	sdelay $0x1  }
0x242: {  	s20 =	simm.s32 $0x420  }
0x243: {  	v0 =	vld [tilespmem:s20+$0xFFFFFFF0]  }
0x244: {  	v1 =	vld [tilespmem:s20+$0x0]  }
0x245: {  	v7 =	vld [tilespmem:s20+$0xFFFFFFE0]  }
0x246: {  	v8 =	vld.idx.msk [tilespmem:v4+s7+$0x0], $0xffff  }
0x247: {  	v9 =	vld.idx.msk [tilespmem:v3+s7+$0x0], $0xffff  }
0x248: {  	v2 =	vadd.s32 $0x80, v5;
	v3 =	vadd.s32 $0x80, v3;
	v4 =	vadd.s32 $0x80, v4;
	v10 =	vld.idx.msk [tilespmem:v5+s7+$0x0], $0xffff  }
0x249: {  	s21 =	simm.s32 $0x80;
	v11 =	vadd.s32 s22, v2;
	v5 =	vadd.s32 s22, v3;
	v6 =	vadd.s32 s22, v4;
	s22 =	simm.s32 $0x4A0  }
.LBB2_26:
0x24a: {  	p0 =	sne.s32 s21, $0x6380;
	v12 =	vmov v11;
	s23 =	smov.u32 s21;
	s21 =	sadd.s32 $0x80, s21  }
0x24b: {  	v8 =	vsub.f32 v8, v1;
	v11 =	vld [tilespmem:s22+$0xFFFFFFF0]  }
0x24c: {  	v9 =	vsub.f32 v9, v0  }
0x24d: {  	v8 =	vmul.f32 $5.000000000e-01, v8;
	v10 =	vsub.f32 v10, v7  }
0x24e: {  	v9 =	vmul.f32 $5.000000000e-01, v9  }
0x24f: {  	v1 =	vadd.f32 v8, v1;
	v10 =	vmul.f32 $5.000000000e-01, v10  }
0x250: {  	v8 =	vadd.f32 v9, v0;
	v0 =	vmov v11  }
0x251: {  	v7 =	vadd.f32 v10, v7;
	[tilespmem:s20+$0x0] =	vst v1  }
0x252: {  	[tilespmem:s20+$0xFFFFFFF0] =	vst v8  }
0x253: {  	v1 =	vld [tilespmem:s22+$0x0];
	[tilespmem:s20+$0xFFFFFFE0] =	vst v7;
	s20 =	smov.u32 s22  }
.Ltmp12:
0x254: {  	v8 =	vld.idx.msk [tilespmem:v6+s7+$0x0], $0xffff;
	(pc) =	sbr.rel @p0 .LBB2_26-.Ltmp12, $4  }
0x255: {  	v11 =	vadd.s32 s23, v2;
	v6 =	vadd.s32 s23, v4;
	v9 =	vld.idx.msk [tilespmem:v5+s7+$0x0], $0xffff;
	v5 =	vadd.s32 s23, v3  }
0x256: {  	v10 =	vld.idx.msk [tilespmem:v12+s7+$0x0], $0xffff  }
0x257: {  	v7 =	vld [tilespmem:s22+$0xFFFFFFE0]  }
0x258: {  	s22 =	sadd.s32 $0x80, s22  }
0x259: {  	_ = 	snop  }
0x25a: {  	v2 =	vsub.f32 v8, v1  }
0x25b: {  	v3 =	vsub.f32 v9, v0  }
0x25c: {  	v2 =	vmul.f32 $5.000000000e-01, v2;
	v4 =	vsub.f32 v10, v7  }
0x25d: {  	v3 =	vmul.f32 $5.000000000e-01, v3  }
0x25e: {  	v1 =	vadd.f32 v2, v1;
	v4 =	vmul.f32 $5.000000000e-01, v4  }
0x25f: {  	v0 =	vadd.f32 v3, v0  }
0x260: {  	[tilespmem:s20+$0x0] =	vst v1;
	v2 =	vadd.f32 v4, v7  }
0x261: {  	[tilespmem:s20+$0xFFFFFFF0] =	vst v0  }
0x262: {  	s22 =	simm.s32 $0x0;
	[tilespmem:s20+$0xFFFFFFE0] =	vst v2  }
0x263: {  	[hbm4b:s28+s22] =	stream.linear.scatter [tilespmem:s7], [sflag:$0x5], $0x6400, $0x38;
	[tilespmem:$0x19400] =	vst v63  }
0x264: {  	_ =	swait.ge [sflag:s18], $0x6400  }
0x265: {  	[sflag:s18] =	ssyncset.done $0x0  }
0x266: {  	[sflag:s18] =	ssyncadd.s32 $0xFFFF9C00  }
0x267: {  	[tilespmem:s11], [sflag:$0x4] =	stream.linear.gather [hbm4b:s29+s22], $0x6400, $0x38;
	[tilespmem:$0x19400] =	vst v63  }
0x268: {  	_ =	swait.ge [sflag:s12], $0x6400  }
0x269: {  	[sflag:s12] =	ssyncset.done $0x0  }
0x26a: {  	[sflag:s12] =	ssyncadd.s32 $0xFFFF9C00  }
0x26b: {  	v4 =	vld [tilespmem:$0x100]  }
0x26c: {  	v3 =	vld [tilespmem:$0x80]  }
0x26d: {  	v5 =	vld [tilespmem:$0x0];
	_ =	sdelay $0x1  }
0x26e: {  	s20 =	simm.s32 $0x6820  }
0x26f: {  	v0 =	vld [tilespmem:s20+$0xFFFFFFF0]  }
0x270: {  	v1 =	vld [tilespmem:s20+$0x0]  }
0x271: {  	v7 =	vld [tilespmem:s20+$0xFFFFFFE0]  }
0x272: {  	v8 =	vld.idx.msk [tilespmem:v4+s8+$0x0], $0xffff  }
0x273: {  	v9 =	vld.idx.msk [tilespmem:v3+s8+$0x0], $0xffff  }
0x274: {  	v2 =	vadd.s32 $0x80, v5;
	v3 =	vadd.s32 $0x80, v3;
	v4 =	vadd.s32 $0x80, v4;
	v10 =	vld.idx.msk [tilespmem:v5+s8+$0x0], $0xffff  }
0x275: {  	s21 =	simm.s32 $0x80;
	v11 =	vadd.s32 s22, v2;
	v5 =	vadd.s32 s22, v3;
	v6 =	vadd.s32 s22, v4;
	s22 =	simm.s32 $0x68A0  }
.LBB2_28:
0x276: {  	p0 =	sne.s32 s21, $0x6380;
	v12 =	vmov v11;
	s23 =	smov.u32 s21;
	s21 =	sadd.s32 $0x80, s21  }
0x277: {  	v8 =	vsub.f32 v8, v1;
	v11 =	vld [tilespmem:s22+$0xFFFFFFF0]  }
0x278: {  	v9 =	vsub.f32 v9, v0  }
0x279: {  	v8 =	vmul.f32 $5.000000000e-01, v8;
	v10 =	vsub.f32 v10, v7  }
0x27a: {  	v9 =	vmul.f32 $5.000000000e-01, v9  }
0x27b: {  	v1 =	vadd.f32 v8, v1;
	v10 =	vmul.f32 $5.000000000e-01, v10  }
0x27c: {  	v8 =	vadd.f32 v9, v0;
	v0 =	vmov v11  }
0x27d: {  	v7 =	vadd.f32 v10, v7;
	[tilespmem:s20+$0x0] =	vst v1  }
0x27e: {  	[tilespmem:s20+$0xFFFFFFF0] =	vst v8  }
0x27f: {  	v1 =	vld [tilespmem:s22+$0x0];
	[tilespmem:s20+$0xFFFFFFE0] =	vst v7;
	s20 =	smov.u32 s22  }
.Ltmp13:
0x280: {  	v8 =	vld.idx.msk [tilespmem:v6+s8+$0x0], $0xffff;
	(pc) =	sbr.rel @p0 .LBB2_28-.Ltmp13, $4  }
0x281: {  	v11 =	vadd.s32 s23, v2;
	v6 =	vadd.s32 s23, v4;
	v9 =	vld.idx.msk [tilespmem:v5+s8+$0x0], $0xffff;
	v5 =	vadd.s32 s23, v3  }
0x282: {  	v10 =	vld.idx.msk [tilespmem:v12+s8+$0x0], $0xffff  }
0x283: {  	v7 =	vld [tilespmem:s22+$0xFFFFFFE0]  }
0x284: {  	s22 =	sadd.s32 $0x80, s22  }
0x285: {  	_ = 	snop  }
0x286: {  	v2 =	vsub.f32 v8, v1  }
0x287: {  	v3 =	vsub.f32 v9, v0  }
0x288: {  	v2 =	vmul.f32 $5.000000000e-01, v2;
	v4 =	vsub.f32 v10, v7  }
0x289: {  	v3 =	vmul.f32 $5.000000000e-01, v3  }
0x28a: {  	v1 =	vadd.f32 v2, v1;
	v4 =	vmul.f32 $5.000000000e-01, v4  }
0x28b: {  	v0 =	vadd.f32 v3, v0  }
0x28c: {  	[tilespmem:s20+$0x0] =	vst v1;
	v2 =	vadd.f32 v4, v7  }
0x28d: {  	[tilespmem:s20+$0xFFFFFFF0] =	vst v0  }
0x28e: {  	s22 =	simm.s32 $0x0;
	[tilespmem:s20+$0xFFFFFFE0] =	vst v2  }
0x28f: {  	[hbm4b:s0+s22] =	stream.linear.scatter [tilespmem:s8], [sflag:$0x6], $0x6400, $0x38;
	[tilespmem:$0x19400] =	vst v63  }
0x290: {  	_ =	swait.ge [sflag:s14], $0x6400  }
0x291: {  	[sflag:s14] =	ssyncset.done $0x0  }
0x292: {  	[sflag:s14] =	ssyncadd.s32 $0xFFFF9C00  }
0x293: {  	v4 =	vld [tilespmem:$0x100]  }
0x294: {  	v3 =	vld [tilespmem:$0x80]  }
0x295: {  	v5 =	vld [tilespmem:$0x0];
	_ =	sdelay $0x1  }
0x296: {  	s20 =	simm.s32 $0xCC20  }
0x297: {  	v0 =	vld [tilespmem:s20+$0xFFFFFFF0]  }
0x298: {  	v1 =	vld [tilespmem:s20+$0x0]  }
0x299: {  	v7 =	vld [tilespmem:s20+$0xFFFFFFE0]  }
0x29a: {  	v8 =	vld.idx.msk [tilespmem:v4+s9+$0x0], $0xffff  }
0x29b: {  	v9 =	vld.idx.msk [tilespmem:v3+s9+$0x0], $0xffff  }
0x29c: {  	v2 =	vadd.s32 $0x80, v5;
	v3 =	vadd.s32 $0x80, v3;
	v4 =	vadd.s32 $0x80, v4;
	v10 =	vld.idx.msk [tilespmem:v5+s9+$0x0], $0xffff  }
0x29d: {  	s21 =	simm.s32 $0x80;
	v11 =	vadd.s32 s22, v2;
	v5 =	vadd.s32 s22, v3;
	v6 =	vadd.s32 s22, v4;
	s22 =	simm.s32 $0xCCA0  }
.LBB2_30:
0x29e: {  	p0 =	sne.s32 s21, $0x6380;
	v12 =	vmov v11;
	s23 =	smov.u32 s21;
	s21 =	sadd.s32 $0x80, s21  }
0x29f: {  	v8 =	vsub.f32 v8, v1;
	v11 =	vld [tilespmem:s22+$0xFFFFFFF0]  }
0x2a0: {  	v9 =	vsub.f32 v9, v0  }
0x2a1: {  	v8 =	vmul.f32 $5.000000000e-01, v8;
	v10 =	vsub.f32 v10, v7  }
0x2a2: {  	v9 =	vmul.f32 $5.000000000e-01, v9  }
0x2a3: {  	v1 =	vadd.f32 v8, v1;
	v10 =	vmul.f32 $5.000000000e-01, v10  }
0x2a4: {  	v8 =	vadd.f32 v9, v0;
	v0 =	vmov v11  }
0x2a5: {  	v7 =	vadd.f32 v10, v7;
	[tilespmem:s20+$0x0] =	vst v1  }
0x2a6: {  	[tilespmem:s20+$0xFFFFFFF0] =	vst v8  }
0x2a7: {  	v1 =	vld [tilespmem:s22+$0x0];
	[tilespmem:s20+$0xFFFFFFE0] =	vst v7;
	s20 =	smov.u32 s22  }
.Ltmp14:
0x2a8: {  	v8 =	vld.idx.msk [tilespmem:v6+s9+$0x0], $0xffff;
	(pc) =	sbr.rel @p0 .LBB2_30-.Ltmp14, $4  }
0x2a9: {  	v11 =	vadd.s32 s23, v2;
	v6 =	vadd.s32 s23, v4;
	v9 =	vld.idx.msk [tilespmem:v5+s9+$0x0], $0xffff;
	v5 =	vadd.s32 s23, v3  }
0x2aa: {  	v10 =	vld.idx.msk [tilespmem:v12+s9+$0x0], $0xffff  }
0x2ab: {  	v7 =	vld [tilespmem:s22+$0xFFFFFFE0]  }
0x2ac: {  	s22 =	sadd.s32 $0x80, s22  }
0x2ad: {  	_ = 	snop  }
0x2ae: {  	v2 =	vsub.f32 v8, v1  }
0x2af: {  	v3 =	vsub.f32 v9, v0  }
0x2b0: {  	v2 =	vmul.f32 $5.000000000e-01, v2;
	v4 =	vsub.f32 v10, v7  }
0x2b1: {  	v3 =	vmul.f32 $5.000000000e-01, v3  }
0x2b2: {  	v1 =	vadd.f32 v2, v1;
	v4 =	vmul.f32 $5.000000000e-01, v4  }
0x2b3: {  	v0 =	vadd.f32 v3, v0  }
0x2b4: {  	[tilespmem:s20+$0x0] =	vst v1;
	v2 =	vadd.f32 v4, v7  }
0x2b5: {  	[tilespmem:s20+$0xFFFFFFF0] =	vst v0  }
0x2b6: {  	s22 =	simm.s32 $0x0;
	[tilespmem:s20+$0xFFFFFFE0] =	vst v2  }
0x2b7: {  	[hbm4b:s2+s22] =	stream.linear.scatter [tilespmem:s9], [sflag:$0x7], $0x6400, $0x38;
	[tilespmem:$0x19400] =	vst v63  }
0x2b8: {  	_ =	swait.ge [sflag:s16], $0x6400  }
0x2b9: {  	[sflag:s16] =	ssyncset.done $0x0  }
0x2ba: {  	[sflag:s16] =	ssyncadd.s32 $0xFFFF9C00  }
0x2bb: {  	v4 =	vld [tilespmem:$0x100]  }
0x2bc: {  	v3 =	vld [tilespmem:$0x80]  }
0x2bd: {  	v5 =	vld [tilespmem:$0x0];
	_ =	sdelay $0x1  }
0x2be: {  	s20 =	simm.s32 $0x13020  }
0x2bf: {  	v0 =	vld [tilespmem:s20+$0xFFFFFFF0]  }
0x2c0: {  	v1 =	vld [tilespmem:s20+$0x0]  }
0x2c1: {  	v7 =	vld [tilespmem:s20+$0xFFFFFFE0]  }
0x2c2: {  	v8 =	vld.idx.msk [tilespmem:v4+s11+$0x0], $0xffff  }
0x2c3: {  	v9 =	vld.idx.msk [tilespmem:v3+s11+$0x0], $0xffff  }
0x2c4: {  	v2 =	vadd.s32 $0x80, v5;
	v3 =	vadd.s32 $0x80, v3;
	v4 =	vadd.s32 $0x80, v4;
	v10 =	vld.idx.msk [tilespmem:v5+s11+$0x0], $0xffff  }
0x2c5: {  	s21 =	simm.s32 $0x80;
	v11 =	vadd.s32 s22, v2;
	v5 =	vadd.s32 s22, v3;
	v6 =	vadd.s32 s22, v4;
	s22 =	simm.s32 $0x130A0  }
.LBB2_32:
0x2c6: {  	p0 =	sne.s32 s21, $0x6380;
	v12 =	vmov v11;
	s23 =	smov.u32 s21;
	s21 =	sadd.s32 $0x80, s21  }
0x2c7: {  	v8 =	vsub.f32 v8, v1;
	v11 =	vld [tilespmem:s22+$0xFFFFFFF0]  }
0x2c8: {  	v9 =	vsub.f32 v9, v0  }
0x2c9: {  	v8 =	vmul.f32 $5.000000000e-01, v8;
	v10 =	vsub.f32 v10, v7  }
0x2ca: {  	v9 =	vmul.f32 $5.000000000e-01, v9  }
0x2cb: {  	v1 =	vadd.f32 v8, v1;
	v10 =	vmul.f32 $5.000000000e-01, v10  }
0x2cc: {  	v8 =	vadd.f32 v9, v0;
	v0 =	vmov v11  }
0x2cd: {  	v7 =	vadd.f32 v10, v7;
	[tilespmem:s20+$0x0] =	vst v1  }
0x2ce: {  	[tilespmem:s20+$0xFFFFFFF0] =	vst v8  }
0x2cf: {  	v1 =	vld [tilespmem:s22+$0x0];
	[tilespmem:s20+$0xFFFFFFE0] =	vst v7;
	s20 =	smov.u32 s22  }
.Ltmp15:
0x2d0: {  	v8 =	vld.idx.msk [tilespmem:v6+s11+$0x0], $0xffff;
	(pc) =	sbr.rel @p0 .LBB2_32-.Ltmp15, $4  }
0x2d1: {  	v11 =	vadd.s32 s23, v2;
	v6 =	vadd.s32 s23, v4;
	v9 =	vld.idx.msk [tilespmem:v5+s11+$0x0], $0xffff;
	v5 =	vadd.s32 s23, v3  }
0x2d2: {  	v10 =	vld.idx.msk [tilespmem:v12+s11+$0x0], $0xffff  }
0x2d3: {  	v7 =	vld [tilespmem:s22+$0xFFFFFFE0]  }
0x2d4: {  	s22 =	sadd.s32 $0x80, s22  }
0x2d5: {  	_ = 	snop  }
0x2d6: {  	v2 =	vsub.f32 v8, v1  }
0x2d7: {  	v3 =	vsub.f32 v9, v0  }
0x2d8: {  	v2 =	vmul.f32 $5.000000000e-01, v2;
	v4 =	vsub.f32 v10, v7  }
0x2d9: {  	v3 =	vmul.f32 $5.000000000e-01, v3  }
0x2da: {  	v61 =	vadd.f32 v2, v1;
	v4 =	vmul.f32 $5.000000000e-01, v4  }
0x2db: {  	v62 =	vadd.f32 v3, v0  }
0x2dc: {  	[tilespmem:s20+$0x0] =	vst v61;
	v63 =	vadd.f32 v4, v7  }
0x2dd: {  	[tilespmem:s20+$0xFFFFFFF0] =	vst v62  }
0x2de: {  	[tilespmem:s20+$0xFFFFFFE0] =	vst v63  }
0x2df: {  	[hbm4b:s3+s1] =	stream.linear.scatter [tilespmem:s11], [sflag:$0x8], $0x6400, $0x38;
	[tilespmem:$0x19400] =	vst v63  }
0x2e0: {  	_ =	swait.ge [sflag:s13], $0x6400  }
0x2e1: {  	[sflag:s13] =	ssyncset.done $0x0  }
0x2e2: {  	[sflag:s13] =	ssyncadd.s32 $0xFFFF9C00  }
0x2e3: {  	_ =	swait.ge [sflag:s15], $0x6400  }
0x2e4: {  	[sflag:s15] =	ssyncset.done $0x0  }
0x2e5: {  	s19 =	sadd.s32 $0x1, s19;
	[sflag:s15] =	ssyncadd.s32 $0xFFFF9C00  }
0x2e6: {  	p0 =	sne.s32 s19, s5;
	_ =	swait.ge [sflag:s17], $0x6400  }
.Ltmp16:
0x2e7: {  	[sflag:s17] =	ssyncset.done $0x0;
	(pc) =	sbr.rel @p0 .LBB2_1-.Ltmp16, $4  }
0x2e8: {  	[sflag:s17] =	ssyncadd.s32 $0xFFFF9C00  }
0x2e9: {  	_ =	swait.ge [sflag:s18], $0x6400  }
0x2ea: {  	[sflag:s18] =	ssyncset.done $0x0  }
0x2eb: {  	[sflag:s18] =	ssyncadd.s32 $0xFFFF9C00  }
0x2ec: {  	_ =	sfence.sel $0x180000  }
0x2ed: {  	[bflag:$0x0] =	sbarrier.arrive $0xFFFF  }
0x2ee: {  	_ =	strace $0x90000047  }
0x2ef: {  	s0 =	stileid.u32;
	[bflag:$0x2] =	sbarrier.arrive $0xFFFF  }
0x2f0: {  	p0 =	sne.s32 s0, $0x0;
	s0 =	rddreg [dreg:$0x3]  }
0x2f1: {  	s0 =	sadd.s32 @!p0 $0x100000, s0  }
0x2f2: {  	[sflag:s0] =	ssyncadd.tile.s32 @!p0 $0x1;
	_ =	shalt  }
.Lfunc_end2:
_tile_overlayer_lowered:
.L_overlay_start_2:
0x2f3: {  	(tag) =	ssettag $0x2  }
0x2f4: {  	s0 =	rddreg [dreg:$0x0];
	s2 =	stileid.u32  }
0x2f5: {  	s1 =	rddreg [dreg:$0x1];
	p0 =	sne.s32 s2, $0x0  }
0x2f6: {  	s3 =	rddreg [dreg:$0x2];
	[bflag:$0x3] =	sbarrier.arrive $0xFFFF;
	s2 =	simm.s32 @!p0 $0x1C09  }
0x2f7: {  	[timem:s3], [sflag:s2] =	dma.local @!p0 [hbm:s0], s1  }
0x2f8: {  	s0 =	simm.s32 @!p0 $0x9  }
0x2f9: {  	_ =	swait.ge @!p0 [sflag:s0], s1  }
0x2fa: {  	s1 =	ssub.s32 @!p0 $0x0, s1;
	[sflag:s0] =	ssyncset.done @!p0 $0x0  }
0x2fb: {  	[sflag:s0] =	ssyncadd.s32 @!p0 s1  }
0x2fc: {  	[bflag:$0x3] =	sbarrier.arrive $0xFFFF  }
0x2fd: {  	_ =	shalt  }

</sc_bundles>
